<compile_context>
chip_gen: v7x
topology: tpu7x:2x2x1
jax: 0.10.2.dev20260603
libtpu: 0.0.44.dev20260713+nightly
codegen_flags: <defaults>
</compile_context>

<pallas_src>
import functools

import jax
import jax.numpy as jnp
from jax import lax
from jax.experimental import pallas as pl
from jax.experimental.pallas import tpu as pltpu
from jax.experimental.pallas import tpu_sc as plsc

NS = 16
NC = 2
CH = 64
AUG = 16


def _sc_agg1(xcat, src2r, dstpr, ones16, zeros1, zerosd, *, NP, H, EPAD):
    epw = EPAD // NS
    nch = epw // CH
    rpt = NP // NS

    mesh = plsc.VectorSubcoreMesh(core_axis_name="c", subcore_axis_name="s")

    @functools.partial(
        pl.kernel,
        out_type=(jax.ShapeDtypeStruct((NP, H), jnp.float32),
                  jax.ShapeDtypeStruct((NP, H), jnp.float32),
                  jax.ShapeDtypeStruct((NP, AUG), jnp.float32)),
        mesh=mesh,
        compiler_params=pltpu.CompilerParams(use_tc_tiling_on_sc=False),
        scratch_types=[
            pltpu.VMEM((nch, CH), jnp.int32),
            pltpu.VMEM((nch, CH), jnp.int32),
            pltpu.VMEM((CH, H), jnp.float32),
            pltpu.VMEM((CH, H), jnp.float32),
            pltpu.VMEM((CH, AUG), jnp.float32),
            pltpu.VMEM_SHARED((NP, H), jnp.float32),
            pltpu.VMEM_SHARED((NP, AUG), jnp.float32),
            pltpu.SemaphoreType.DMA,
            pltpu.SemaphoreType.DMA,
            pltpu.SemaphoreType.DMA,
            pltpu.SemaphoreType.DMA,
            pltpu.SemaphoreType.DMA,
        ],
    )
    def body(xcat_h, src2_h, dstp_h, ones_h, zeros_h, zerosd_h, out0, out1,
             outd, sidx, didx, rows0, rows1, onesv, acc, dacc, semg0, semg1,
             sems0, sems1, semd):
        c = lax.axis_index("c")
        s = lax.axis_index("s")
        r0 = s * rpt
        pltpu.sync_copy(zeros_h, acc.at[pl.ds(r0, rpt)])
        pltpu.sync_copy(zerosd_h, dacc.at[pl.ds(r0, rpt)])
        pltpu.sync_copy(ones_h, onesv)
        pltpu.sync_copy(src2_h.at[pl.ds(c * (EPAD // CH) + s * nch, nch)], sidx)
        pltpu.sync_copy(dstp_h.at[pl.ds(s * nch, nch)], didx)
        plsc.subcore_barrier()

        bufs = (rows0, rows1)
        semg = (semg0, semg1)
        sems = (sems0, sems1)
        HC = CH // 2

        def gather(j, b):
            pltpu.async_copy(xcat_h.at[sidx.at[j, pl.ds(0, HC)]],
                             bufs[b].at[pl.ds(0, HC)], semg[b])
            pltpu.async_copy(xcat_h.at[sidx.at[j, pl.ds(HC, HC)]],
                             bufs[b].at[pl.ds(HC, HC)], semg[b])

        def gather_wait(b):
            pltpu.make_async_copy(xcat_h.at[sidx.at[0]], bufs[b],
                                  semg[b]).wait()

        gather(0, 0)

        def step(g, carry):
            for b in range(2):
                j = 2 * g + b
                o = 1 - b

                @pl.when(j + 1 < nch)
                def _():
                    @pl.when(j >= 1)
                    def _():
                        pltpu.make_async_copy(
                            bufs[o], acc.at[didx.at[j]], sems[o]).wait()

                    gather(j + 1, o)

                gather_wait(b)
                pltpu.async_copy(bufs[b], acc.at[didx.at[j]], sems[b],
                                 add=True)

                @pl.when(c == 0)
                def _():
                    @pl.when(j >= 1)
                    def _():
                        pltpu.make_async_copy(
                            onesv, dacc.at[didx.at[j]], semd).wait()

                    pltpu.async_copy(onesv, dacc.at[didx.at[j]], semd,
                                     add=True)

            return carry

        lax.fori_loop(0, nch // 2, step, 0)
        pltpu.make_async_copy(bufs[0], acc.at[didx.at[0]], sems[0]).wait()
        pltpu.make_async_copy(bufs[1], acc.at[didx.at[0]], sems[1]).wait()

        @pl.when(c == 0)
        def _():
            pltpu.make_async_copy(onesv, dacc.at[didx.at[0]], semd).wait()

        plsc.subcore_barrier()

        @pl.when(c == 0)
        def _():
            pltpu.sync_copy(acc.at[pl.ds(r0, rpt)], out0.at[pl.ds(r0, rpt)])
            pltpu.sync_copy(dacc.at[pl.ds(r0, rpt)], outd.at[pl.ds(r0, rpt)])

        @pl.when(c == 1)
        def _():
            pltpu.sync_copy(acc.at[pl.ds(r0, rpt)], out1.at[pl.ds(r0, rpt)])

    return body(xcat, src2r, dstpr, ones16, zeros1, zerosd)


def _sc_agg2(q, srcpr, dstpr, zeros2, *, NP, EPAD):
    epw = EPAD // (NC * NS)
    nch = epw // CH
    rpt = NP // NS

    mesh = plsc.VectorSubcoreMesh(core_axis_name="c", subcore_axis_name="s")

    @functools.partial(
        pl.kernel,
        out_type=(jax.ShapeDtypeStruct((NP, AUG), jnp.float32),
                  jax.ShapeDtypeStruct((NP, AUG), jnp.float32)),
        mesh=mesh,
        compiler_params=pltpu.CompilerParams(use_tc_tiling_on_sc=False),
        scratch_types=[
            pltpu.VMEM((nch, CH), jnp.int32),
            pltpu.VMEM((nch, CH), jnp.int32),
            pltpu.VMEM((CH, AUG), jnp.float32),
            pltpu.VMEM((CH, AUG), jnp.float32),
            pltpu.VMEM_SHARED((NP, AUG), jnp.float32),
            pltpu.SemaphoreType.DMA,
            pltpu.SemaphoreType.DMA,
            pltpu.SemaphoreType.DMA,
            pltpu.SemaphoreType.DMA,
        ],
    )
    def body(q_h, srcp_h, dstp_h, zeros_h, out0, out1, sidx, didx, rows0,
             rows1, acc, semg0, semg1, sems0, sems1):
        c = lax.axis_index("c")
        s = lax.axis_index("s")
        r0 = s * rpt
        w = c * NS + s
        pltpu.sync_copy(zeros_h, acc.at[pl.ds(r0, rpt)])
        pltpu.sync_copy(srcp_h.at[pl.ds(w * nch, nch)], sidx)
        pltpu.sync_copy(dstp_h.at[pl.ds(w * nch, nch)], didx)
        plsc.subcore_barrier()

        bufs = (rows0, rows1)
        semg = (semg0, semg1)
        sems = (sems0, sems1)
        pltpu.async_copy(q_h.at[sidx.at[0]], rows0, semg0)

        def step(g, carry):
            for b in range(2):
                j = 2 * g + b
                o = 1 - b

                @pl.when(j + 1 < nch)
                def _():
                    @pl.when(j >= 1)
                    def _():
                        pltpu.make_async_copy(
                            bufs[o], acc.at[didx.at[j]], sems[o]).wait()

                    pltpu.async_copy(q_h.at[sidx.at[j + 1]], bufs[o], semg[o])

                pltpu.make_async_copy(q_h.at[sidx.at[j]], bufs[b],
                                      semg[b]).wait()
                pltpu.async_copy(bufs[b], acc.at[didx.at[j]], sems[b],
                                 add=True)

            return carry

        lax.fori_loop(0, nch // 2, step, 0)
        pltpu.make_async_copy(bufs[0], acc.at[didx.at[0]], sems[0]).wait()
        pltpu.make_async_copy(bufs[1], acc.at[didx.at[0]], sems[1]).wait()
        plsc.subcore_barrier()

        @pl.when(c == 0)
        def _():
            pltpu.sync_copy(acc.at[pl.ds(r0, rpt)], out0.at[pl.ds(r0, rpt)])

        @pl.when(c == 1)
        def _():
            pltpu.sync_copy(acc.at[pl.ds(r0, rpt)], out1.at[pl.ds(r0, rpt)])

    return body(q, srcpr, dstpr, zeros2)


def _tc1(x, alo, ahi, degp, A1, C1lo, C1hi, b1r, A2p, b2p, C2p, *, N, F, H, BN):
    grid = (N // BN,)

    def body(x_r, alo_r, ahi_r, deg_r, a1_r, c1lo_r, c1hi_r, b1_r, a2_r, b2_r,
             c2_r, q_r, w_r):
        deg = deg_r[...][:, 0:1]
        pre = jnp.dot(x_r[...], a1_r[...],
                      preferred_element_type=jnp.float32) + b1_r[...]
        aggc = (jnp.dot(alo_r[...], c1lo_r[...],
                        preferred_element_type=jnp.float32)
                + jnp.dot(ahi_r[...], c1hi_r[...],
                          preferred_element_type=jnp.float32))
        h1 = jnp.maximum(deg * pre + aggc, 0.0)
        q_r[...] = jnp.dot(h1, c2_r[...], preferred_element_type=jnp.float32)
        w_r[...] = deg * (jnp.dot(h1, a2_r[...],
                                  preferred_element_type=jnp.float32)
                          + b2_r[...])

    return pl.pallas_call(
        body,
        grid=grid,
        in_specs=[
            pl.BlockSpec((BN, F), lambda i: (i, 0)),
            pl.BlockSpec((BN, H), lambda i: (i, 0)),
            pl.BlockSpec((BN, H), lambda i: (i, 0)),
            pl.BlockSpec((BN, AUG), lambda i: (i, 0)),
            pl.BlockSpec((F, F), lambda i: (0, 0)),
            pl.BlockSpec((H, F), lambda i: (0, 0)),
            pl.BlockSpec((H, F), lambda i: (0, 0)),
            pl.BlockSpec((1, F), lambda i: (0, 0)),
            pl.BlockSpec((F, AUG), lambda i: (0, 0)),
            pl.BlockSpec((1, AUG), lambda i: (0, 0)),
            pl.BlockSpec((F, AUG), lambda i: (0, 0)),
        ],
        out_specs=[
            pl.BlockSpec((BN, AUG), lambda i: (i, 0)),
            pl.BlockSpec((BN, AUG), lambda i: (i, 0)),
        ],
        out_shape=[
            jax.ShapeDtypeStruct((N, AUG), jnp.float32),
            jax.ShapeDtypeStruct((N, AUG), jnp.float32),
        ],
    )(x, alo, ahi, degp, A1, C1lo, C1hi, b1r, A2p, b2p, C2p)


def _tc2(w, a2a, a2b, bx2, W3r, b3r, *, N, B, BN):
    grid = (N // BN,)

    def body(w_r, a_r, b_r, bx_r, w3_r, b3_r, out_r):
        i = pl.program_id(0)
        h2 = jnp.maximum(w_r[...] + a_r[...] + b_r[...], 0.0)
        h3 = jnp.sum(h2 * w3_r[...], axis=1, keepdims=True) + b3_r[0, 0]
        seg = lax.broadcasted_iota(jnp.int32, (BN, B), 1)
        onehot = (bx_r[...] == seg).astype(jnp.float32)
        part = jnp.sum(onehot * h3, axis=0, keepdims=True)

        @pl.when(i == 0)
        def _():
            out_r[...] = jnp.zeros_like(out_r)

        out_r[...] += part

    return pl.pallas_call(
        body,
        grid=grid,
        in_specs=[
            pl.BlockSpec((BN, AUG), lambda i: (i, 0)),
            pl.BlockSpec((BN, AUG), lambda i: (i, 0)),
            pl.BlockSpec((BN, AUG), lambda i: (i, 0)),
            pl.BlockSpec((BN, 1), lambda i: (i, 0)),
            pl.BlockSpec((1, AUG), lambda i: (0, 0)),
            pl.BlockSpec((1, 1), lambda i: (0, 0)),
        ],
        out_specs=pl.BlockSpec((1, B), lambda i: (0, 0)),
        out_shape=jax.ShapeDtypeStruct((1, B), jnp.float32),
    )(w, a2a, a2b, bx2, W3r, b3r)


def kernel(x, edge_index, batch_x, W1, b1, W2, b2, W3, b3):
    N, F = x.shape
    E = edge_index.shape[1]
    B = 64
    H = F // 2
    BN = 1000
    NP = ((N + 1 + NS * 8 - 1) // (NS * 8)) * (NS * 8)

    grp = NC * NS * CH * 2
    EPAD = ((E + grp - 1) // grp) * grp
    npad = EPAD - E

    src = edge_index[0]
    dst = edge_index[1]
    src_p = jnp.concatenate([src, jnp.zeros((npad,), jnp.int32)])
    dst_p = jnp.concatenate([dst, jnp.full((npad,), N, jnp.int32)])
    src2 = jnp.concatenate([src_p, src_p + N])

    xcat = jnp.concatenate([x[:, :H], x[:, H:]], axis=0)

    zeros1 = jnp.zeros((NP // NS, H), jnp.float32)
    zerosd = jnp.zeros((NP // NS, AUG), jnp.float32)
    ones16 = jnp.ones((CH, AUG), jnp.float32)

    A1 = (W1[:, :F] - W1[:, F:]).T
    C1 = W1[:, F:].T
    C1lo, C1hi = C1[:H], C1[H:]
    b1r = b1.reshape(1, F)
    K2 = W2.shape[0]
    A2p = jnp.zeros((F, AUG), jnp.float32).at[:, :K2].set((W2[:, :F] - W2[:, F:]).T)
    C2p = jnp.zeros((F, AUG), jnp.float32).at[:, :K2].set(W2[:, F:].T)
    b2p = jnp.zeros((1, AUG), jnp.float32).at[0, :K2].set(b2)
    W3r = jnp.zeros((1, AUG), jnp.float32).at[0, :K2].set(W3[0])
    b3r = b3.reshape(1, 1)
    bx2 = batch_x.reshape(N, 1)

    src2r = src2.reshape(2 * EPAD // CH, CH)
    dstpr = dst_p.reshape(EPAD // CH, CH)
    alo, ahi, degp = _sc_agg1(xcat, src2r, dstpr, ones16, zeros1, zerosd,
                              NP=NP, H=H, EPAD=EPAD)
    q, w = _tc1(x, alo[:N], ahi[:N], degp[:N], A1, C1lo, C1hi, b1r, A2p, b2p,
                C2p, N=N, F=F, H=H, BN=BN)
    srcpr = src2r[:EPAD // CH]
    a2a, a2b = _sc_agg2(q, srcpr, dstpr, zerosd, NP=NP, EPAD=EPAD)
    energy = _tc2(w, a2a[:N], a2b[:N], bx2, W3r, b3r, N=N, B=B, BN=BN)
    return energy.reshape(B, 1)

# --- scband reference (transcript-rebuilt; emitter-appended) ---
"""Pipeline reference for scband-test-net-53360673686193 (READ-ONLY COPY).

The authoritative reference and input builder live on the scoring server;
editing this copy changes nothing except your own understanding.
"""

import jax, jax.numpy as jnp
import numpy as np

N = 10000
E = 160000
F = 256
B = 64

def setup_inputs(seed: int = 0) -> dict:
    key = jax.random.key(seed)
    ks = jax.random.split(key, 10)
    x = jax.random.normal(ks[0], (N, F), dtype=jnp.float32)
    edge_index = jax.random.randint(ks[1], (2, E), 0, N, dtype=jnp.int32)
    batch_x = jnp.sort(jax.random.randint(ks[2], (N,), 0, B, dtype=jnp.int32))
    # Learned parameters, torch nn.Linear layout: weight [out, in], bias [out]
    s1 = 1.0 / np.sqrt(2 * F)
    W1 = jax.random.uniform(ks[3], (F, 2 * F), dtype=jnp.float32, minval=-s1, maxval=s1)
    b1 = jax.random.uniform(ks[4], (F,), dtype=jnp.float32, minval=-s1, maxval=s1)
    W2 = jax.random.uniform(ks[5], (10, 2 * F), dtype=jnp.float32, minval=-s1, maxval=s1)
    b2 = jax.random.uniform(ks[6], (10,), dtype=jnp.float32, minval=-s1, maxval=s1)
    s3 = 1.0 / np.sqrt(10)
    W3 = jax.random.uniform(ks[7], (1, 10), dtype=jnp.float32, minval=-s3, maxval=s3)
    b3 = jax.random.uniform(ks[8], (1,), dtype=jnp.float32, minval=-s3, maxval=s3)
    return {"x": x, "edge_index": edge_index, "batch_x": batch_x,
            "W1": W1, "b1": b1, "W2": W2, "b2": b2, "W3": W3, "b3": b3}


def reference(x, edge_index, batch_x, W1, b1, W2, b2, W3, b3):
    src = edge_index[0]
    dst = edge_index[1]

    def edge_conv(h, W, b):
        # PyG EdgeConv: message = nn(cat([x_i, x_j - x_i])), aggr='add' over incoming edges at i (dst)
        xi = jnp.take(h, dst, axis=0)
        xj = jnp.take(h, src, axis=0)
        msg = jnp.concatenate([xi, xj - xi], axis=1)
        m = msg @ W.T + b
        return jax.ops.segment_sum(m, dst, num_segments=N)

    h = jax.nn.relu(edge_conv(x, W1, b1))
    h = jax.nn.relu(edge_conv(h, W2, b2))
    h = h @ W3.T + b3
    # global_add_pool over graphs in the batch
    energy = jax.ops.segment_sum(h, batch_x, num_segments=B)
    return energy

if __name__ == "__main__":
    import jax
    _d = setup_inputs()
    print(jax.jit(kernel)(*tuple(_d.values())))

</pallas_src>

<mosaic_0001>
#map = affine_map<(d0, d1) -> (0, 0)>
module attributes {stable_mosaic.version = 14 : i64} {
  func.func @body(%arg0: i32, %arg1: i32, %arg2: memref<20000x128xf32, #tpu.memory_space<hbm>>, %arg3: memref<5120x64xi32, #tpu.memory_space<hbm>>, %arg4: memref<2560x64xi32, #tpu.memory_space<hbm>>, %arg5: memref<64x16xf32, #tpu.memory_space<hbm>>, %arg6: memref<632x128xf32, #tpu.memory_space<hbm>>, %arg7: memref<632x16xf32, #tpu.memory_space<hbm>>, %arg8: memref<10112x128xf32, #tpu.memory_space<hbm>>, %arg9: memref<10112x128xf32, #tpu.memory_space<hbm>>, %arg10: memref<10112x16xf32, #tpu.memory_space<hbm>>, %arg11: memref<160x64xi32, #tpu.memory_space<vmem>>, %arg12: memref<160x64xi32, #tpu.memory_space<vmem>>, %arg13: memref<64x128xf32, #tpu.memory_space<vmem>>, %arg14: memref<64x128xf32, #tpu.memory_space<vmem>>, %arg15: memref<64x16xf32, #tpu.memory_space<vmem>>, %arg16: memref<10112x128xf32, #tpu.memory_space<vmem_shared>>, %arg17: memref<10112x16xf32, #tpu.memory_space<vmem_shared>>, %arg18: memref<!tpu.dma_semaphore, #tpu.memory_space<semaphore_mem>>, %arg19: memref<!tpu.dma_semaphore, #tpu.memory_space<semaphore_mem>>, %arg20: memref<!tpu.dma_semaphore, #tpu.memory_space<semaphore_mem>>, %arg21: memref<!tpu.dma_semaphore, #tpu.memory_space<semaphore_mem>>, %arg22: memref<!tpu.dma_semaphore, #tpu.memory_space<semaphore_mem>>) attributes {dimension_semantics = [#tpu.dimension_semantics<core_parallel>, #tpu.dimension_semantics<subcore_parallel>], iteration_bounds = array<i64: 2, 16>, scalar_prefetch = 0 : i64, scratch_operands = 12 : i64, tpu.core_type = #tpu.core_type<sc_vector_subcore>, window_params = [{transform_indices = #map}, {transform_indices = #map}, {transform_indices = #map}, {transform_indices = #map}, {transform_indices = #map}, {transform_indices = #map}, {transform_indices = #map}, {transform_indices = #map}, {transform_indices = #map}]} {
    %mul3A = arith.constant 632 : i32
    %mul3A_0 = arith.muli %arg1, %mul3A : i32
    "tpu.region"() ({
      %run_scoped3A = tpu.sem_alloc : memref<!tpu.dma_semaphore, #tpu.memory_space<semaphore_mem>>
      %dma_start3A_57 = arith.constant 0 : i32
      %dma_start3A_58 = tpu.memref_slice %arg16[%mul3A_0, %dma_start3A_57] : memref<10112x128xf32, #tpu.memory_space<vmem_shared>> -> memref<632x128xf32, #tpu.memory_space<vmem_shared>>
      tpu.enqueue_dma source(%arg6 : memref<632x128xf32, #tpu.memory_space<hbm>>) target(%dma_start3A_58 : memref<632x128xf32, #tpu.memory_space<vmem_shared>>) target_semaphore(%run_scoped3A : memref<!tpu.dma_semaphore, #tpu.memory_space<semaphore_mem>>)
      %dma_wait3A_59 = arith.constant 0 : i32
      %dma_wait3A_60 = tpu.memref_slice %arg16[%mul3A_0, %dma_wait3A_59] : memref<10112x128xf32, #tpu.memory_space<vmem_shared>> -> memref<632x128xf32, #tpu.memory_space<vmem_shared>>
      tpu.wait_dma2 semaphore(%run_scoped3A : memref<!tpu.dma_semaphore, #tpu.memory_space<semaphore_mem>>) src(%arg6 : memref<632x128xf32, #tpu.memory_space<hbm>>) dst(%dma_wait3A_60 : memref<632x128xf32, #tpu.memory_space<vmem_shared>>)
      tpu.yield
    }) : () -> ()
    "tpu.region"() ({
      %run_scoped3A = tpu.sem_alloc : memref<!tpu.dma_semaphore, #tpu.memory_space<semaphore_mem>>
      %dma_start3A_57 = arith.constant 0 : i32
      %dma_start3A_58 = tpu.memref_slice %arg17[%mul3A_0, %dma_start3A_57] : memref<10112x16xf32, #tpu.memory_space<vmem_shared>> -> memref<632x16xf32, #tpu.memory_space<vmem_shared>>
      tpu.enqueue_dma source(%arg7 : memref<632x16xf32, #tpu.memory_space<hbm>>) target(%dma_start3A_58 : memref<632x16xf32, #tpu.memory_space<vmem_shared>>) target_semaphore(%run_scoped3A : memref<!tpu.dma_semaphore, #tpu.memory_space<semaphore_mem>>)
      %dma_wait3A_59 = arith.constant 0 : i32
      %dma_wait3A_60 = tpu.memref_slice %arg17[%mul3A_0, %dma_wait3A_59] : memref<10112x16xf32, #tpu.memory_space<vmem_shared>> -> memref<632x16xf32, #tpu.memory_space<vmem_shared>>
      tpu.wait_dma2 semaphore(%run_scoped3A : memref<!tpu.dma_semaphore, #tpu.memory_space<semaphore_mem>>) src(%arg7 : memref<632x16xf32, #tpu.memory_space<hbm>>) dst(%dma_wait3A_60 : memref<632x16xf32, #tpu.memory_space<vmem_shared>>)
      tpu.yield
    }) : () -> ()
    "tpu.region"() ({
      %run_scoped3A = tpu.sem_alloc : memref<!tpu.dma_semaphore, #tpu.memory_space<semaphore_mem>>
      tpu.enqueue_dma source(%arg5 : memref<64x16xf32, #tpu.memory_space<hbm>>) target(%arg15 : memref<64x16xf32, #tpu.memory_space<vmem>>) target_semaphore(%run_scoped3A : memref<!tpu.dma_semaphore, #tpu.memory_space<semaphore_mem>>)
      tpu.wait_dma2 semaphore(%run_scoped3A : memref<!tpu.dma_semaphore, #tpu.memory_space<semaphore_mem>>) src(%arg5 : memref<64x16xf32, #tpu.memory_space<hbm>>) dst(%arg15 : memref<64x16xf32, #tpu.memory_space<vmem>>)
      tpu.yield
    }) : () -> ()
    %mul3A_1 = arith.constant 2560 : i32
    %mul3A_2 = arith.muli %arg0, %mul3A_1 : i32
    %mul3A_3 = arith.constant 160 : i32
    %mul3A_4 = arith.muli %arg1, %mul3A_3 : i32
    %add3A = arith.addi %mul3A_2, %mul3A_4 : i32
    "tpu.region"() ({
      %run_scoped3A = tpu.sem_alloc : memref<!tpu.dma_semaphore, #tpu.memory_space<semaphore_mem>>
      %dma_start3A_57 = arith.constant 0 : i32
      %dma_start3A_58 = tpu.memref_slice %arg3[%add3A, %dma_start3A_57] : memref<5120x64xi32, #tpu.memory_space<hbm>> -> memref<160x64xi32, #tpu.memory_space<hbm>>
      %dma_start3A_59 = arith.constant 0 : i32
      %dma_start3A_60 = tpu.memref_slice %arg3[%add3A, %dma_start3A_59] : memref<5120x64xi32, #tpu.memory_space<hbm>> -> memref<160x64xi32, #tpu.memory_space<hbm>>
      tpu.enqueue_dma source(%dma_start3A_60 : memref<160x64xi32, #tpu.memory_space<hbm>>) target(%arg11 : memref<160x64xi32, #tpu.memory_space<vmem>>) target_semaphore(%run_scoped3A : memref<!tpu.dma_semaphore, #tpu.memory_space<semaphore_mem>>)
      %dma_wait3A_61 = arith.constant 0 : i32
      %dma_wait3A_62 = tpu.memref_slice %arg3[%add3A, %dma_wait3A_61] : memref<5120x64xi32, #tpu.memory_space<hbm>> -> memref<160x64xi32, #tpu.memory_space<hbm>>
      %dma_wait3A_63 = arith.constant 0 : i32
      %dma_wait3A_64 = tpu.memref_slice %arg3[%add3A, %dma_wait3A_63] : memref<5120x64xi32, #tpu.memory_space<hbm>> -> memref<160x64xi32, #tpu.memory_space<hbm>>
      tpu.wait_dma2 semaphore(%run_scoped3A : memref<!tpu.dma_semaphore, #tpu.memory_space<semaphore_mem>>) src(%dma_wait3A_64 : memref<160x64xi32, #tpu.memory_space<hbm>>) dst(%arg11 : memref<160x64xi32, #tpu.memory_space<vmem>>)
      tpu.yield
    }) : () -> ()
    %mul3A_5 = arith.constant 160 : i32
    %mul3A_6 = arith.muli %arg1, %mul3A_5 : i32
    "tpu.region"() ({
      %run_scoped3A = tpu.sem_alloc : memref<!tpu.dma_semaphore, #tpu.memory_space<semaphore_mem>>
      %dma_start3A_57 = arith.constant 0 : i32
      %dma_start3A_58 = tpu.memref_slice %arg4[%mul3A_6, %dma_start3A_57] : memref<2560x64xi32, #tpu.memory_space<hbm>> -> memref<160x64xi32, #tpu.memory_space<hbm>>
      %dma_start3A_59 = arith.constant 0 : i32
      %dma_start3A_60 = tpu.memref_slice %arg4[%mul3A_6, %dma_start3A_59] : memref<2560x64xi32, #tpu.memory_space<hbm>> -> memref<160x64xi32, #tpu.memory_space<hbm>>
      tpu.enqueue_dma source(%dma_start3A_60 : memref<160x64xi32, #tpu.memory_space<hbm>>) target(%arg12 : memref<160x64xi32, #tpu.memory_space<vmem>>) target_semaphore(%run_scoped3A : memref<!tpu.dma_semaphore, #tpu.memory_space<semaphore_mem>>)
      %dma_wait3A_61 = arith.constant 0 : i32
      %dma_wait3A_62 = tpu.memref_slice %arg4[%mul3A_6, %dma_wait3A_61] : memref<2560x64xi32, #tpu.memory_space<hbm>> -> memref<160x64xi32, #tpu.memory_space<hbm>>
      %dma_wait3A_63 = arith.constant 0 : i32
      %dma_wait3A_64 = tpu.memref_slice %arg4[%mul3A_6, %dma_wait3A_63] : memref<2560x64xi32, #tpu.memory_space<hbm>> -> memref<160x64xi32, #tpu.memory_space<hbm>>
      tpu.wait_dma2 semaphore(%run_scoped3A : memref<!tpu.dma_semaphore, #tpu.memory_space<semaphore_mem>>) src(%dma_wait3A_64 : memref<160x64xi32, #tpu.memory_space<hbm>>) dst(%arg12 : memref<160x64xi32, #tpu.memory_space<vmem>>)
      tpu.yield
    }) : () -> ()
    %barrier3A = arith.constant 0 : index
    tpu.barrier barrier_id(%barrier3A)
    %dma_start3A = arith.constant 0 : i32
    %dma_start3A_7 = arith.constant 0 : i32
    %dma_start3A_8 = arith.constant 0 : i32
    %dma_start3A_9 = tpu.memref_slice %arg13[%dma_start3A_7, %dma_start3A_8] : memref<64x128xf32, #tpu.memory_space<vmem>> -> memref<32x128xf32, #tpu.memory_space<vmem>>
    %dma_start3A_10 = arith.constant 0 : i32
    %dma_start3A_11 = tpu.memref_slice %arg11[%dma_start3A, %dma_start3A_10] : memref<160x64xi32, #tpu.memory_space<vmem>> -> memref<1x32xi32, #tpu.memory_space<vmem>>
    %dma_start3A_12 = tpu.memref_squeeze %dma_start3A_11 : memref<1x32xi32, #tpu.memory_space<vmem>> -> memref<32xi32, #tpu.memory_space<vmem>>
    %dma_start3A_13 = arith.constant 0 : i32
    %dma_start3A_14 = arith.constant 0 : i32
    %dma_start3A_15 = tpu.memref_slice %arg2[%dma_start3A_13, %dma_start3A_14] : memref<20000x128xf32, #tpu.memory_space<hbm>> -> memref<20000x128xf32, #tpu.memory_space<hbm>>
    tpu.enqueue_indirect_dma source(%dma_start3A_15 : memref<20000x128xf32, #tpu.memory_space<hbm>>) target(%dma_start3A_9 : memref<32x128xf32, #tpu.memory_space<vmem>>) offsets(%dma_start3A_12 : memref<32xi32, #tpu.memory_space<vmem>>) semaphore(%arg18 : memref<!tpu.dma_semaphore, #tpu.memory_space<semaphore_mem>>)
    %dma_start3A_16 = arith.constant 0 : i32
    %dma_start3A_17 = arith.constant 32 : i32
    %dma_start3A_18 = arith.constant 0 : i32
    %dma_start3A_19 = tpu.memref_slice %arg13[%dma_start3A_17, %dma_start3A_18] : memref<64x128xf32, #tpu.memory_space<vmem>> -> memref<32x128xf32, #tpu.memory_space<vmem>>
    %dma_start3A_20 = arith.constant 32 : i32
    %dma_start3A_21 = tpu.memref_slice %arg11[%dma_start3A_16, %dma_start3A_20] : memref<160x64xi32, #tpu.memory_space<vmem>> -> memref<1x32xi32, #tpu.memory_space<vmem>>
    %dma_start3A_22 = tpu.memref_squeeze %dma_start3A_21 : memref<1x32xi32, #tpu.memory_space<vmem>> -> memref<32xi32, #tpu.memory_space<vmem>>
    %dma_start3A_23 = arith.constant 0 : i32
    %dma_start3A_24 = arith.constant 0 : i32
    %dma_start3A_25 = tpu.memref_slice %arg2[%dma_start3A_23, %dma_start3A_24] : memref<20000x128xf32, #tpu.memory_space<hbm>> -> memref<20000x128xf32, #tpu.memory_space<hbm>>
    tpu.enqueue_indirect_dma source(%dma_start3A_25 : memref<20000x128xf32, #tpu.memory_space<hbm>>) target(%dma_start3A_19 : memref<32x128xf32, #tpu.memory_space<vmem>>) offsets(%dma_start3A_22 : memref<32xi32, #tpu.memory_space<vmem>>) semaphore(%arg18 : memref<!tpu.dma_semaphore, #tpu.memory_space<semaphore_mem>>)
    %scan3A = arith.constant 0 : i32
    %scan3A_26 = arith.constant 0 : i32
    %scan3A_27 = arith.constant 80 : i32
    %scan3A_28 = arith.addi %scan3A_26, %scan3A_27 : i32
    %scan3A_29 = arith.constant 1 : i32
    scf.for %scan3A_57 = %scan3A_26 to %scan3A_28 step %scan3A_29  : i32 {
      %mul3A_58 = arith.constant 2 : i32
      %mul3A_59 = arith.muli %mul3A_58, %scan3A_57 : i32
      %add3A_60 = arith.constant 0 : i32
      %add3A_61 = arith.addi %mul3A_59, %add3A_60 : i32
      %add3A_62 = arith.constant 1 : i32
      %add3A_63 = arith.addi %add3A_61, %add3A_62 : i32
      %lt3A = arith.constant 160 : i32
      %lt3A_64 = arith.cmpi slt, %add3A_63, %lt3A : i32
      %convert_element_type3A_65 = arith.extui %lt3A_64 : i1 to i32
      %cond3A_66 = arith.constant 0 : i32
      %cond3A_67 = arith.cmpi ne, %convert_element_type3A_65, %cond3A_66 : i32
      scf.if %cond3A_67 {
        %ge3A = arith.constant 1 : i32
        %ge3A_115 = arith.cmpi sge, %add3A_61, %ge3A : i32
        %convert_element_type3A_116 = arith.extui %ge3A_115 : i1 to i32
        %cond3A_117 = arith.constant 0 : i32
        %cond3A_118 = arith.cmpi ne, %convert_element_type3A_116, %cond3A_117 : i32
        scf.if %cond3A_118 {
          %dma_wait3A_139 = arith.constant 0 : i32
          %dma_wait3A_140 = tpu.memref_slice %arg12[%add3A_61, %dma_wait3A_139] : memref<160x64xi32, #tpu.memory_space<vmem>> -> memref<1x64xi32, #tpu.memory_space<vmem>>
          %dma_wait3A_141 = tpu.memref_squeeze %dma_wait3A_140 : memref<1x64xi32, #tpu.memory_space<vmem>> -> memref<64xi32, #tpu.memory_space<vmem>>
          %dma_wait3A_142 = arith.constant 0 : i32
          %dma_wait3A_143 = arith.constant 0 : i32
          %dma_wait3A_144 = tpu.memref_slice %arg16[%dma_wait3A_142, %dma_wait3A_143] : memref<10112x128xf32, #tpu.memory_space<vmem_shared>> -> memref<10112x128xf32, #tpu.memory_space<vmem_shared>>
          tpu.wait_indirect_dma semaphore(%arg21 : memref<!tpu.dma_semaphore, #tpu.memory_space<semaphore_mem>>) src(%arg14 : memref<64x128xf32, #tpu.memory_space<vmem>>) dst(%dma_wait3A_144 : memref<10112x128xf32, #tpu.memory_space<vmem_shared>>)
        } else {
        }
        %add3A_119 = arith.constant 1 : i32
        %add3A_120 = arith.addi %add3A_61, %add3A_119 : i32
        %dma_start3A_121 = arith.constant 0 : i32
        %dma_start3A_122 = arith.constant 0 : i32
        %dma_start3A_123 = tpu.memref_slice %arg14[%dma_start3A_121, %dma_start3A_122] : memref<64x128xf32, #tpu.memory_space<vmem>> -> memref<32x128xf32, #tpu.memory_space<vmem>>
        %dma_start3A_124 = arith.constant 0 : i32
        %dma_start3A_125 = tpu.memref_slice %arg11[%add3A_120, %dma_start3A_124] : memref<160x64xi32, #tpu.memory_space<vmem>> -> memref<1x32xi32, #tpu.memory_space<vmem>>
        %dma_start3A_126 = tpu.memref_squeeze %dma_start3A_125 : memref<1x32xi32, #tpu.memory_space<vmem>> -> memref<32xi32, #tpu.memory_space<vmem>>
        %dma_start3A_127 = arith.constant 0 : i32
        %dma_start3A_128 = arith.constant 0 : i32
        %dma_start3A_129 = tpu.memref_slice %arg2[%dma_start3A_127, %dma_start3A_128] : memref<20000x128xf32, #tpu.memory_space<hbm>> -> memref<20000x128xf32, #tpu.memory_space<hbm>>
        tpu.enqueue_indirect_dma source(%dma_start3A_129 : memref<20000x128xf32, #tpu.memory_space<hbm>>) target(%dma_start3A_123 : memref<32x128xf32, #tpu.memory_space<vmem>>) offsets(%dma_start3A_126 : memref<32xi32, #tpu.memory_space<vmem>>) semaphore(%arg19 : memref<!tpu.dma_semaphore, #tpu.memory_space<semaphore_mem>>)
        %dma_start3A_130 = arith.constant 32 : i32
        %dma_start3A_131 = arith.constant 0 : i32
        %dma_start3A_132 = tpu.memref_slice %arg14[%dma_start3A_130, %dma_start3A_131] : memref<64x128xf32, #tpu.memory_space<vmem>> -> memref<32x128xf32, #tpu.memory_space<vmem>>
        %dma_start3A_133 = arith.constant 32 : i32
        %dma_start3A_134 = tpu.memref_slice %arg11[%add3A_120, %dma_start3A_133] : memref<160x64xi32, #tpu.memory_space<vmem>> -> memref<1x32xi32, #tpu.memory_space<vmem>>
        %dma_start3A_135 = tpu.memref_squeeze %dma_start3A_134 : memref<1x32xi32, #tpu.memory_space<vmem>> -> memref<32xi32, #tpu.memory_space<vmem>>
        %dma_start3A_136 = arith.constant 0 : i32
        %dma_start3A_137 = arith.constant 0 : i32
        %dma_start3A_138 = tpu.memref_slice %arg2[%dma_start3A_136, %dma_start3A_137] : memref<20000x128xf32, #tpu.memory_space<hbm>> -> memref<20000x128xf32, #tpu.memory_space<hbm>>
        tpu.enqueue_indirect_dma source(%dma_start3A_138 : memref<20000x128xf32, #tpu.memory_space<hbm>>) target(%dma_start3A_132 : memref<32x128xf32, #tpu.memory_space<vmem>>) offsets(%dma_start3A_135 : memref<32xi32, #tpu.memory_space<vmem>>) semaphore(%arg19 : memref<!tpu.dma_semaphore, #tpu.memory_space<semaphore_mem>>)
      } else {
      }
      %dma_wait3A_68 = arith.constant 0 : i32
      %dma_wait3A_69 = arith.constant 0 : i32
      %dma_wait3A_70 = tpu.memref_slice %arg11[%dma_wait3A_68, %dma_wait3A_69] : memref<160x64xi32, #tpu.memory_space<vmem>> -> memref<1x64xi32, #tpu.memory_space<vmem>>
      %dma_wait3A_71 = tpu.memref_squeeze %dma_wait3A_70 : memref<1x64xi32, #tpu.memory_space<vmem>> -> memref<64xi32, #tpu.memory_space<vmem>>
      %dma_wait3A_72 = arith.constant 0 : i32
      %dma_wait3A_73 = arith.constant 0 : i32
      %dma_wait3A_74 = tpu.memref_slice %arg2[%dma_wait3A_72, %dma_wait3A_73] : memref<20000x128xf32, #tpu.memory_space<hbm>> -> memref<20000x128xf32, #tpu.memory_space<hbm>>
      tpu.wait_indirect_dma semaphore(%arg18 : memref<!tpu.dma_semaphore, #tpu.memory_space<semaphore_mem>>) src(%dma_wait3A_74 : memref<20000x128xf32, #tpu.memory_space<hbm>>) dst(%arg13 : memref<64x128xf32, #tpu.memory_space<vmem>>)
      %dma_start3A_75 = arith.constant 0 : i32
      %dma_start3A_76 = tpu.memref_slice %arg12[%add3A_61, %dma_start3A_75] : memref<160x64xi32, #tpu.memory_space<vmem>> -> memref<1x64xi32, #tpu.memory_space<vmem>>
      %dma_start3A_77 = tpu.memref_squeeze %dma_start3A_76 : memref<1x64xi32, #tpu.memory_space<vmem>> -> memref<64xi32, #tpu.memory_space<vmem>>
      %dma_start3A_78 = arith.constant 0 : i32
      %dma_start3A_79 = arith.constant 0 : i32
      %dma_start3A_80 = tpu.memref_slice %arg16[%dma_start3A_78, %dma_start3A_79] : memref<10112x128xf32, #tpu.memory_space<vmem_shared>> -> memref<10112x128xf32, #tpu.memory_space<vmem_shared>>
      tpu.enqueue_indirect_dma source(%arg13 : memref<64x128xf32, #tpu.memory_space<vmem>>) target(%dma_start3A_80 : memref<10112x128xf32, #tpu.memory_space<vmem_shared>>) offsets(%dma_start3A_77 : memref<64xi32, #tpu.memory_space<vmem>>) semaphore(%arg20 : memref<!tpu.dma_semaphore, #tpu.memory_space<semaphore_mem>>) {add = true}
      %eq3A_81 = arith.constant 0 : i32
      %eq3A_82 = arith.cmpi eq, %arg0, %eq3A_81 : i32
      %convert_element_type3A_83 = arith.extui %eq3A_82 : i1 to i32
      %cond3A_84 = arith.constant 0 : i32
      %cond3A_85 = arith.cmpi ne, %convert_element_type3A_83, %cond3A_84 : i32
      scf.if %cond3A_85 {
        %ge3A = arith.constant 1 : i32
        %ge3A_115 = arith.cmpi sge, %add3A_61, %ge3A : i32
        %convert_element_type3A_116 = arith.extui %ge3A_115 : i1 to i32
        %cond3A_117 = arith.constant 0 : i32
        %cond3A_118 = arith.cmpi ne, %convert_element_type3A_116, %cond3A_117 : i32
        scf.if %cond3A_118 {
          %dma_wait3A_125 = arith.constant 0 : i32
          %dma_wait3A_126 = tpu.memref_slice %arg12[%add3A_61, %dma_wait3A_125] : memref<160x64xi32, #tpu.memory_space<vmem>> -> memref<1x64xi32, #tpu.memory_space<vmem>>
          %dma_wait3A_127 = tpu.memref_squeeze %dma_wait3A_126 : memref<1x64xi32, #tpu.memory_space<vmem>> -> memref<64xi32, #tpu.memory_space<vmem>>
          %dma_wait3A_128 = arith.constant 0 : i32
          %dma_wait3A_129 = arith.constant 0 : i32
          %dma_wait3A_130 = tpu.memref_slice %arg17[%dma_wait3A_128, %dma_wait3A_129] : memref<10112x16xf32, #tpu.memory_space<vmem_shared>> -> memref<10112x16xf32, #tpu.memory_space<vmem_shared>>
          tpu.wait_indirect_dma semaphore(%arg22 : memref<!tpu.dma_semaphore, #tpu.memory_space<semaphore_mem>>) src(%arg15 : memref<64x16xf32, #tpu.memory_space<vmem>>) dst(%dma_wait3A_130 : memref<10112x16xf32, #tpu.memory_space<vmem_shared>>)
        } else {
        }
        %dma_start3A_119 = arith.constant 0 : i32
        %dma_start3A_120 = tpu.memref_slice %arg12[%add3A_61, %dma_start3A_119] : memref<160x64xi32, #tpu.memory_space<vmem>> -> memref<1x64xi32, #tpu.memory_space<vmem>>
        %dma_start3A_121 = tpu.memref_squeeze %dma_start3A_120 : memref<1x64xi32, #tpu.memory_space<vmem>> -> memref<64xi32, #tpu.memory_space<vmem>>
        %dma_start3A_122 = arith.constant 0 : i32
        %dma_start3A_123 = arith.constant 0 : i32
        %dma_start3A_124 = tpu.memref_slice %arg17[%dma_start3A_122, %dma_start3A_123] : memref<10112x16xf32, #tpu.memory_space<vmem_shared>> -> memref<10112x16xf32, #tpu.memory_space<vmem_shared>>
        tpu.enqueue_indirect_dma source(%arg15 : memref<64x16xf32, #tpu.memory_space<vmem>>) target(%dma_start3A_124 : memref<10112x16xf32, #tpu.memory_space<vmem_shared>>) offsets(%dma_start3A_121 : memref<64xi32, #tpu.memory_space<vmem>>) semaphore(%arg22 : memref<!tpu.dma_semaphore, #tpu.memory_space<semaphore_mem>>) {add = true}
      } else {
      }
      %mul3A_86 = arith.constant 2 : i32
      %mul3A_87 = arith.muli %mul3A_86, %scan3A_57 : i32
      %add3A_88 = arith.constant 1 : i32
      %add3A_89 = arith.addi %mul3A_87, %add3A_88 : i32
      %add3A_90 = arith.constant 1 : i32
      %add3A_91 = arith.addi %add3A_89, %add3A_90 : i32
      %lt3A_92 = arith.constant 160 : i32
      %lt3A_93 = arith.cmpi slt, %add3A_91, %lt3A_92 : i32
      %convert_element_type3A_94 = arith.extui %lt3A_93 : i1 to i32
      %cond3A_95 = arith.constant 0 : i32
      %cond3A_96 = arith.cmpi ne, %convert_element_type3A_94, %cond3A_95 : i32
      scf.if %cond3A_96 {
        %ge3A = arith.constant 1 : i32
        %ge3A_115 = arith.cmpi sge, %add3A_89, %ge3A : i32
        %convert_element_type3A_116 = arith.extui %ge3A_115 : i1 to i32
        %cond3A_117 = arith.constant 0 : i32
        %cond3A_118 = arith.cmpi ne, %convert_element_type3A_116, %cond3A_117 : i32
        scf.if %cond3A_118 {
          %dma_wait3A_139 = arith.constant 0 : i32
          %dma_wait3A_140 = tpu.memref_slice %arg12[%add3A_89, %dma_wait3A_139] : memref<160x64xi32, #tpu.memory_space<vmem>> -> memref<1x64xi32, #tpu.memory_space<vmem>>
          %dma_wait3A_141 = tpu.memref_squeeze %dma_wait3A_140 : memref<1x64xi32, #tpu.memory_space<vmem>> -> memref<64xi32, #tpu.memory_space<vmem>>
          %dma_wait3A_142 = arith.constant 0 : i32
          %dma_wait3A_143 = arith.constant 0 : i32
          %dma_wait3A_144 = tpu.memref_slice %arg16[%dma_wait3A_142, %dma_wait3A_143] : memref<10112x128xf32, #tpu.memory_space<vmem_shared>> -> memref<10112x128xf32, #tpu.memory_space<vmem_shared>>
          tpu.wait_indirect_dma semaphore(%arg20 : memref<!tpu.dma_semaphore, #tpu.memory_space<semaphore_mem>>) src(%arg13 : memref<64x128xf32, #tpu.memory_space<vmem>>) dst(%dma_wait3A_144 : memref<10112x128xf32, #tpu.memory_space<vmem_shared>>)
        } else {
        }
        %add3A_119 = arith.constant 1 : i32
        %add3A_120 = arith.addi %add3A_89, %add3A_119 : i32
        %dma_start3A_121 = arith.constant 0 : i32
        %dma_start3A_122 = arith.constant 0 : i32
        %dma_start3A_123 = tpu.memref_slice %arg13[%dma_start3A_121, %dma_start3A_122] : memref<64x128xf32, #tpu.memory_space<vmem>> -> memref<32x128xf32, #tpu.memory_space<vmem>>
        %dma_start3A_124 = arith.constant 0 : i32
        %dma_start3A_125 = tpu.memref_slice %arg11[%add3A_120, %dma_start3A_124] : memref<160x64xi32, #tpu.memory_space<vmem>> -> memref<1x32xi32, #tpu.memory_space<vmem>>
        %dma_start3A_126 = tpu.memref_squeeze %dma_start3A_125 : memref<1x32xi32, #tpu.memory_space<vmem>> -> memref<32xi32, #tpu.memory_space<vmem>>
        %dma_start3A_127 = arith.constant 0 : i32
        %dma_start3A_128 = arith.constant 0 : i32
        %dma_start3A_129 = tpu.memref_slice %arg2[%dma_start3A_127, %dma_start3A_128] : memref<20000x128xf32, #tpu.memory_space<hbm>> -> memref<20000x128xf32, #tpu.memory_space<hbm>>
        tpu.enqueue_indirect_dma source(%dma_start3A_129 : memref<20000x128xf32, #tpu.memory_space<hbm>>) target(%dma_start3A_123 : memref<32x128xf32, #tpu.memory_space<vmem>>) offsets(%dma_start3A_126 : memref<32xi32, #tpu.memory_space<vmem>>) semaphore(%arg18 : memref<!tpu.dma_semaphore, #tpu.memory_space<semaphore_mem>>)
        %dma_start3A_130 = arith.constant 32 : i32
        %dma_start3A_131 = arith.constant 0 : i32
        %dma_start3A_132 = tpu.memref_slice %arg13[%dma_start3A_130, %dma_start3A_131] : memref<64x128xf32, #tpu.memory_space<vmem>> -> memref<32x128xf32, #tpu.memory_space<vmem>>
        %dma_start3A_133 = arith.constant 32 : i32
        %dma_start3A_134 = tpu.memref_slice %arg11[%add3A_120, %dma_start3A_133] : memref<160x64xi32, #tpu.memory_space<vmem>> -> memref<1x32xi32, #tpu.memory_space<vmem>>
        %dma_start3A_135 = tpu.memref_squeeze %dma_start3A_134 : memref<1x32xi32, #tpu.memory_space<vmem>> -> memref<32xi32, #tpu.memory_space<vmem>>
        %dma_start3A_136 = arith.constant 0 : i32
        %dma_start3A_137 = arith.constant 0 : i32
        %dma_start3A_138 = tpu.memref_slice %arg2[%dma_start3A_136, %dma_start3A_137] : memref<20000x128xf32, #tpu.memory_space<hbm>> -> memref<20000x128xf32, #tpu.memory_space<hbm>>
        tpu.enqueue_indirect_dma source(%dma_start3A_138 : memref<20000x128xf32, #tpu.memory_space<hbm>>) target(%dma_start3A_132 : memref<32x128xf32, #tpu.memory_space<vmem>>) offsets(%dma_start3A_135 : memref<32xi32, #tpu.memory_space<vmem>>) semaphore(%arg18 : memref<!tpu.dma_semaphore, #tpu.memory_space<semaphore_mem>>)
      } else {
      }
      %dma_wait3A_97 = arith.constant 0 : i32
      %dma_wait3A_98 = arith.constant 0 : i32
      %dma_wait3A_99 = tpu.memref_slice %arg11[%dma_wait3A_97, %dma_wait3A_98] : memref<160x64xi32, #tpu.memory_space<vmem>> -> memref<1x64xi32, #tpu.memory_space<vmem>>
      %dma_wait3A_100 = tpu.memref_squeeze %dma_wait3A_99 : memref<1x64xi32, #tpu.memory_space<vmem>> -> memref<64xi32, #tpu.memory_space<vmem>>
      %dma_wait3A_101 = arith.constant 0 : i32
      %dma_wait3A_102 = arith.constant 0 : i32
      %dma_wait3A_103 = tpu.memref_slice %arg2[%dma_wait3A_101, %dma_wait3A_102] : memref<20000x128xf32, #tpu.memory_space<hbm>> -> memref<20000x128xf32, #tpu.memory_space<hbm>>
      tpu.wait_indirect_dma semaphore(%arg19 : memref<!tpu.dma_semaphore, #tpu.memory_space<semaphore_mem>>) src(%dma_wait3A_103 : memref<20000x128xf32, #tpu.memory_space<hbm>>) dst(%arg14 : memref<64x128xf32, #tpu.memory_space<vmem>>)
      %dma_start3A_104 = arith.constant 0 : i32
      %dma_start3A_105 = tpu.memref_slice %arg12[%add3A_89, %dma_start3A_104] : memref<160x64xi32, #tpu.memory_space<vmem>> -> memref<1x64xi32, #tpu.memory_space<vmem>>
      %dma_start3A_106 = tpu.memref_squeeze %dma_start3A_105 : memref<1x64xi32, #tpu.memory_space<vmem>> -> memref<64xi32, #tpu.memory_space<vmem>>
      %dma_start3A_107 = arith.constant 0 : i32
      %dma_start3A_108 = arith.constant 0 : i32
      %dma_start3A_109 = tpu.memref_slice %arg16[%dma_start3A_107, %dma_start3A_108] : memref<10112x128xf32, #tpu.memory_space<vmem_shared>> -> memref<10112x128xf32, #tpu.memory_space<vmem_shared>>
      tpu.enqueue_indirect_dma source(%arg14 : memref<64x128xf32, #tpu.memory_space<vmem>>) target(%dma_start3A_109 : memref<10112x128xf32, #tpu.memory_space<vmem_shared>>) offsets(%dma_start3A_106 : memref<64xi32, #tpu.memory_space<vmem>>) semaphore(%arg21 : memref<!tpu.dma_semaphore, #tpu.memory_space<semaphore_mem>>) {add = true}
      %eq3A_110 = arith.constant 0 : i32
      %eq3A_111 = arith.cmpi eq, %arg0, %eq3A_110 : i32
      %convert_element_type3A_112 = arith.extui %eq3A_111 : i1 to i32
      %cond3A_113 = arith.constant 0 : i32
      %cond3A_114 = arith.cmpi ne, %convert_element_type3A_112, %cond3A_113 : i32
      scf.if %cond3A_114 {
        %ge3A = arith.constant 1 : i32
        %ge3A_115 = arith.cmpi sge, %add3A_89, %ge3A : i32
        %convert_element_type3A_116 = arith.extui %ge3A_115 : i1 to i32
        %cond3A_117 = arith.constant 0 : i32
        %cond3A_118 = arith.cmpi ne, %convert_element_type3A_116, %cond3A_117 : i32
        scf.if %cond3A_118 {
          %dma_wait3A_125 = arith.constant 0 : i32
          %dma_wait3A_126 = tpu.memref_slice %arg12[%add3A_89, %dma_wait3A_125] : memref<160x64xi32, #tpu.memory_space<vmem>> -> memref<1x64xi32, #tpu.memory_space<vmem>>
          %dma_wait3A_127 = tpu.memref_squeeze %dma_wait3A_126 : memref<1x64xi32, #tpu.memory_space<vmem>> -> memref<64xi32, #tpu.memory_space<vmem>>
          %dma_wait3A_128 = arith.constant 0 : i32
          %dma_wait3A_129 = arith.constant 0 : i32
          %dma_wait3A_130 = tpu.memref_slice %arg17[%dma_wait3A_128, %dma_wait3A_129] : memref<10112x16xf32, #tpu.memory_space<vmem_shared>> -> memref<10112x16xf32, #tpu.memory_space<vmem_shared>>
          tpu.wait_indirect_dma semaphore(%arg22 : memref<!tpu.dma_semaphore, #tpu.memory_space<semaphore_mem>>) src(%arg15 : memref<64x16xf32, #tpu.memory_space<vmem>>) dst(%dma_wait3A_130 : memref<10112x16xf32, #tpu.memory_space<vmem_shared>>)
        } else {
        }
        %dma_start3A_119 = arith.constant 0 : i32
        %dma_start3A_120 = tpu.memref_slice %arg12[%add3A_89, %dma_start3A_119] : memref<160x64xi32, #tpu.memory_space<vmem>> -> memref<1x64xi32, #tpu.memory_space<vmem>>
        %dma_start3A_121 = tpu.memref_squeeze %dma_start3A_120 : memref<1x64xi32, #tpu.memory_space<vmem>> -> memref<64xi32, #tpu.memory_space<vmem>>
        %dma_start3A_122 = arith.constant 0 : i32
        %dma_start3A_123 = arith.constant 0 : i32
        %dma_start3A_124 = tpu.memref_slice %arg17[%dma_start3A_122, %dma_start3A_123] : memref<10112x16xf32, #tpu.memory_space<vmem_shared>> -> memref<10112x16xf32, #tpu.memory_space<vmem_shared>>
        tpu.enqueue_indirect_dma source(%arg15 : memref<64x16xf32, #tpu.memory_space<vmem>>) target(%dma_start3A_124 : memref<10112x16xf32, #tpu.memory_space<vmem_shared>>) offsets(%dma_start3A_121 : memref<64xi32, #tpu.memory_space<vmem>>) semaphore(%arg22 : memref<!tpu.dma_semaphore, #tpu.memory_space<semaphore_mem>>) {add = true}
      } else {
      }
    }
    %scan3A_30 = arith.constant 80 : i32
    %dma_wait3A = arith.constant 0 : i32
    %dma_wait3A_31 = arith.constant 0 : i32
    %dma_wait3A_32 = tpu.memref_slice %arg12[%dma_wait3A, %dma_wait3A_31] : memref<160x64xi32, #tpu.memory_space<vmem>> -> memref<1x64xi32, #tpu.memory_space<vmem>>
    %dma_wait3A_33 = tpu.memref_squeeze %dma_wait3A_32 : memref<1x64xi32, #tpu.memory_space<vmem>> -> memref<64xi32, #tpu.memory_space<vmem>>
    %dma_wait3A_34 = arith.constant 0 : i32
    %dma_wait3A_35 = arith.constant 0 : i32
    %dma_wait3A_36 = tpu.memref_slice %arg16[%dma_wait3A_34, %dma_wait3A_35] : memref<10112x128xf32, #tpu.memory_space<vmem_shared>> -> memref<10112x128xf32, #tpu.memory_space<vmem_shared>>
    tpu.wait_indirect_dma semaphore(%arg20 : memref<!tpu.dma_semaphore, #tpu.memory_space<semaphore_mem>>) src(%arg13 : memref<64x128xf32, #tpu.memory_space<vmem>>) dst(%dma_wait3A_36 : memref<10112x128xf32, #tpu.memory_space<vmem_shared>>)
    %dma_wait3A_37 = arith.constant 0 : i32
    %dma_wait3A_38 = arith.constant 0 : i32
    %dma_wait3A_39 = tpu.memref_slice %arg12[%dma_wait3A_37, %dma_wait3A_38] : memref<160x64xi32, #tpu.memory_space<vmem>> -> memref<1x64xi32, #tpu.memory_space<vmem>>
    %dma_wait3A_40 = tpu.memref_squeeze %dma_wait3A_39 : memref<1x64xi32, #tpu.memory_space<vmem>> -> memref<64xi32, #tpu.memory_space<vmem>>
    %dma_wait3A_41 = arith.constant 0 : i32
    %dma_wait3A_42 = arith.constant 0 : i32
    %dma_wait3A_43 = tpu.memref_slice %arg16[%dma_wait3A_41, %dma_wait3A_42] : memref<10112x128xf32, #tpu.memory_space<vmem_shared>> -> memref<10112x128xf32, #tpu.memory_space<vmem_shared>>
    tpu.wait_indirect_dma semaphore(%arg21 : memref<!tpu.dma_semaphore, #tpu.memory_space<semaphore_mem>>) src(%arg14 : memref<64x128xf32, #tpu.memory_space<vmem>>) dst(%dma_wait3A_43 : memref<10112x128xf32, #tpu.memory_space<vmem_shared>>)
    %eq3A = arith.constant 0 : i32
    %eq3A_44 = arith.cmpi eq, %arg0, %eq3A : i32
    %convert_element_type3A = arith.extui %eq3A_44 : i1 to i32
    %cond3A = arith.constant 0 : i32
    %cond3A_45 = arith.cmpi ne, %convert_element_type3A, %cond3A : i32
    scf.if %cond3A_45 {
      %dma_wait3A_57 = arith.constant 0 : i32
      %dma_wait3A_58 = arith.constant 0 : i32
      %dma_wait3A_59 = tpu.memref_slice %arg12[%dma_wait3A_57, %dma_wait3A_58] : memref<160x64xi32, #tpu.memory_space<vmem>> -> memref<1x64xi32, #tpu.memory_space<vmem>>
      %dma_wait3A_60 = tpu.memref_squeeze %dma_wait3A_59 : memref<1x64xi32, #tpu.memory_space<vmem>> -> memref<64xi32, #tpu.memory_space<vmem>>
      %dma_wait3A_61 = arith.constant 0 : i32
      %dma_wait3A_62 = arith.constant 0 : i32
      %dma_wait3A_63 = tpu.memref_slice %arg17[%dma_wait3A_61, %dma_wait3A_62] : memref<10112x16xf32, #tpu.memory_space<vmem_shared>> -> memref<10112x16xf32, #tpu.memory_space<vmem_shared>>
      tpu.wait_indirect_dma semaphore(%arg22 : memref<!tpu.dma_semaphore, #tpu.memory_space<semaphore_mem>>) src(%arg15 : memref<64x16xf32, #tpu.memory_space<vmem>>) dst(%dma_wait3A_63 : memref<10112x16xf32, #tpu.memory_space<vmem_shared>>)
    } else {
    }
    %barrier3A_46 = arith.constant 0 : index
    tpu.barrier barrier_id(%barrier3A_46)
    %eq3A_47 = arith.constant 0 : i32
    %eq3A_48 = arith.cmpi eq, %arg0, %eq3A_47 : i32
    %convert_element_type3A_49 = arith.extui %eq3A_48 : i1 to i32
    %cond3A_50 = arith.constant 0 : i32
    %cond3A_51 = arith.cmpi ne, %convert_element_type3A_49, %cond3A_50 : i32
    scf.if %cond3A_51 {
      "tpu.region"() ({
        %run_scoped3A = tpu.sem_alloc : memref<!tpu.dma_semaphore, #tpu.memory_space<semaphore_mem>>
        %dma_start3A_57 = arith.constant 0 : i32
        %dma_start3A_58 = tpu.memref_slice %arg8[%mul3A_0, %dma_start3A_57] : memref<10112x128xf32, #tpu.memory_space<hbm>> -> memref<632x128xf32, #tpu.memory_space<hbm>>
        %dma_start3A_59 = arith.constant 0 : i32
        %dma_start3A_60 = tpu.memref_slice %arg16[%mul3A_0, %dma_start3A_59] : memref<10112x128xf32, #tpu.memory_space<vmem_shared>> -> memref<632x128xf32, #tpu.memory_space<vmem_shared>>
        tpu.enqueue_dma source(%dma_start3A_60 : memref<632x128xf32, #tpu.memory_space<vmem_shared>>) target(%dma_start3A_58 : memref<632x128xf32, #tpu.memory_space<hbm>>) target_semaphore(%run_scoped3A : memref<!tpu.dma_semaphore, #tpu.memory_space<semaphore_mem>>)
        %dma_wait3A_61 = arith.constant 0 : i32
        %dma_wait3A_62 = tpu.memref_slice %arg8[%mul3A_0, %dma_wait3A_61] : memref<10112x128xf32, #tpu.memory_space<hbm>> -> memref<632x128xf32, #tpu.memory_space<hbm>>
        %dma_wait3A_63 = arith.constant 0 : i32
        %dma_wait3A_64 = tpu.memref_slice %arg16[%mul3A_0, %dma_wait3A_63] : memref<10112x128xf32, #tpu.memory_space<vmem_shared>> -> memref<632x128xf32, #tpu.memory_space<vmem_shared>>
        tpu.wait_dma2 semaphore(%run_scoped3A : memref<!tpu.dma_semaphore, #tpu.memory_space<semaphore_mem>>) src(%dma_wait3A_64 : memref<632x128xf32, #tpu.memory_space<vmem_shared>>) dst(%dma_wait3A_62 : memref<632x128xf32, #tpu.memory_space<hbm>>)
        tpu.yield
      }) : () -> ()
      "tpu.region"() ({
        %run_scoped3A = tpu.sem_alloc : memref<!tpu.dma_semaphore, #tpu.memory_space<semaphore_mem>>
        %dma_start3A_57 = arith.constant 0 : i32
        %dma_start3A_58 = tpu.memref_slice %arg10[%mul3A_0, %dma_start3A_57] : memref<10112x16xf32, #tpu.memory_space<hbm>> -> memref<632x16xf32, #tpu.memory_space<hbm>>
        %dma_start3A_59 = arith.constant 0 : i32
        %dma_start3A_60 = tpu.memref_slice %arg17[%mul3A_0, %dma_start3A_59] : memref<10112x16xf32, #tpu.memory_space<vmem_shared>> -> memref<632x16xf32, #tpu.memory_space<vmem_shared>>
        tpu.enqueue_dma source(%dma_start3A_60 : memref<632x16xf32, #tpu.memory_space<vmem_shared>>) target(%dma_start3A_58 : memref<632x16xf32, #tpu.memory_space<hbm>>) target_semaphore(%run_scoped3A : memref<!tpu.dma_semaphore, #tpu.memory_space<semaphore_mem>>)
        %dma_wait3A_61 = arith.constant 0 : i32
        %dma_wait3A_62 = tpu.memref_slice %arg10[%mul3A_0, %dma_wait3A_61] : memref<10112x16xf32, #tpu.memory_space<hbm>> -> memref<632x16xf32, #tpu.memory_space<hbm>>
        %dma_wait3A_63 = arith.constant 0 : i32
        %dma_wait3A_64 = tpu.memref_slice %arg17[%mul3A_0, %dma_wait3A_63] : memref<10112x16xf32, #tpu.memory_space<vmem_shared>> -> memref<632x16xf32, #tpu.memory_space<vmem_shared>>
        tpu.wait_dma2 semaphore(%run_scoped3A : memref<!tpu.dma_semaphore, #tpu.memory_space<semaphore_mem>>) src(%dma_wait3A_64 : memref<632x16xf32, #tpu.memory_space<vmem_shared>>) dst(%dma_wait3A_62 : memref<632x16xf32, #tpu.memory_space<hbm>>)
        tpu.yield
      }) : () -> ()
    } else {
    }
    %eq3A_52 = arith.constant 1 : i32
    %eq3A_53 = arith.cmpi eq, %arg0, %eq3A_52 : i32
    %convert_element_type3A_54 = arith.extui %eq3A_53 : i1 to i32
    %cond3A_55 = arith.constant 0 : i32
    %cond3A_56 = arith.cmpi ne, %convert_element_type3A_54, %cond3A_55 : i32
    scf.if %cond3A_56 {
      "tpu.region"() ({
        %run_scoped3A = tpu.sem_alloc : memref<!tpu.dma_semaphore, #tpu.memory_space<semaphore_mem>>
        %dma_start3A_57 = arith.constant 0 : i32
        %dma_start3A_58 = tpu.memref_slice %arg9[%mul3A_0, %dma_start3A_57] : memref<10112x128xf32, #tpu.memory_space<hbm>> -> memref<632x128xf32, #tpu.memory_space<hbm>>
        %dma_start3A_59 = arith.constant 0 : i32
        %dma_start3A_60 = tpu.memref_slice %arg16[%mul3A_0, %dma_start3A_59] : memref<10112x128xf32, #tpu.memory_space<vmem_shared>> -> memref<632x128xf32, #tpu.memory_space<vmem_shared>>
        tpu.enqueue_dma source(%dma_start3A_60 : memref<632x128xf32, #tpu.memory_space<vmem_shared>>) target(%dma_start3A_58 : memref<632x128xf32, #tpu.memory_space<hbm>>) target_semaphore(%run_scoped3A : memref<!tpu.dma_semaphore, #tpu.memory_space<semaphore_mem>>)
        %dma_wait3A_61 = arith.constant 0 : i32
        %dma_wait3A_62 = tpu.memref_slice %arg9[%mul3A_0, %dma_wait3A_61] : memref<10112x128xf32, #tpu.memory_space<hbm>> -> memref<632x128xf32, #tpu.memory_space<hbm>>
        %dma_wait3A_63 = arith.constant 0 : i32
        %dma_wait3A_64 = tpu.memref_slice %arg16[%mul3A_0, %dma_wait3A_63] : memref<10112x128xf32, #tpu.memory_space<vmem_shared>> -> memref<632x128xf32, #tpu.memory_space<vmem_shared>>
        tpu.wait_dma2 semaphore(%run_scoped3A : memref<!tpu.dma_semaphore, #tpu.memory_space<semaphore_mem>>) src(%dma_wait3A_64 : memref<632x128xf32, #tpu.memory_space<vmem_shared>>) dst(%dma_wait3A_62 : memref<632x128xf32, #tpu.memory_space<hbm>>)
        tpu.yield
      }) : () -> ()
    } else {
    }
    return
  }
}

#map = affine_map<(d0, d1) -> (0, 0)>
module attributes {stable_mosaic.version = 14 : i64} {
  func.func @body(%arg0: i32, %arg1: i32, %arg2: memref<10000x16xf32, #tpu.memory_space<hbm>>, %arg3: memref<2560x64xi32, #tpu.memory_space<hbm>>, %arg4: memref<2560x64xi32, #tpu.memory_space<hbm>>, %arg5: memref<632x16xf32, #tpu.memory_space<hbm>>, %arg6: memref<10112x16xf32, #tpu.memory_space<hbm>>, %arg7: memref<10112x16xf32, #tpu.memory_space<hbm>>, %arg8: memref<80x64xi32, #tpu.memory_space<vmem>>, %arg9: memref<80x64xi32, #tpu.memory_space<vmem>>, %arg10: memref<64x16xf32, #tpu.memory_space<vmem>>, %arg11: memref<64x16xf32, #tpu.memory_space<vmem>>, %arg12: memref<10112x16xf32, #tpu.memory_space<vmem_shared>>, %arg13: memref<!tpu.dma_semaphore, #tpu.memory_space<semaphore_mem>>, %arg14: memref<!tpu.dma_semaphore, #tpu.memory_space<semaphore_mem>>, %arg15: memref<!tpu.dma_semaphore, #tpu.memory_space<semaphore_mem>>, %arg16: memref<!tpu.dma_semaphore, #tpu.memory_space<semaphore_mem>>) attributes {dimension_semantics = [#tpu.dimension_semantics<core_parallel>, #tpu.dimension_semantics<subcore_parallel>], iteration_bounds = array<i64: 2, 16>, scalar_prefetch = 0 : i64, scratch_operands = 9 : i64, tpu.core_type = #tpu.core_type<sc_vector_subcore>, window_params = [{transform_indices = #map}, {transform_indices = #map}, {transform_indices = #map}, {transform_indices = #map}, {transform_indices = #map}, {transform_indices = #map}]} {
    %mul3A = arith.constant 632 : i32
    %mul3A_0 = arith.muli %arg1, %mul3A : i32
    %mul3A_1 = arith.constant 16 : i32
    %mul3A_2 = arith.muli %arg0, %mul3A_1 : i32
    %add3A = arith.addi %mul3A_2, %arg1 : i32
    "tpu.region"() ({
      %run_scoped3A = tpu.sem_alloc : memref<!tpu.dma_semaphore, #tpu.memory_space<semaphore_mem>>
      %dma_start3A_39 = arith.constant 0 : i32
      %dma_start3A_40 = tpu.memref_slice %arg12[%mul3A_0, %dma_start3A_39] : memref<10112x16xf32, #tpu.memory_space<vmem_shared>> -> memref<632x16xf32, #tpu.memory_space<vmem_shared>>
      tpu.enqueue_dma source(%arg5 : memref<632x16xf32, #tpu.memory_space<hbm>>) target(%dma_start3A_40 : memref<632x16xf32, #tpu.memory_space<vmem_shared>>) target_semaphore(%run_scoped3A : memref<!tpu.dma_semaphore, #tpu.memory_space<semaphore_mem>>)
      %dma_wait3A_41 = arith.constant 0 : i32
      %dma_wait3A_42 = tpu.memref_slice %arg12[%mul3A_0, %dma_wait3A_41] : memref<10112x16xf32, #tpu.memory_space<vmem_shared>> -> memref<632x16xf32, #tpu.memory_space<vmem_shared>>
      tpu.wait_dma2 semaphore(%run_scoped3A : memref<!tpu.dma_semaphore, #tpu.memory_space<semaphore_mem>>) src(%arg5 : memref<632x16xf32, #tpu.memory_space<hbm>>) dst(%dma_wait3A_42 : memref<632x16xf32, #tpu.memory_space<vmem_shared>>)
      tpu.yield
    }) : () -> ()
    %mul3A_3 = arith.constant 80 : i32
    %mul3A_4 = arith.muli %add3A, %mul3A_3 : i32
    "tpu.region"() ({
      %run_scoped3A = tpu.sem_alloc : memref<!tpu.dma_semaphore, #tpu.memory_space<semaphore_mem>>
      %dma_start3A_39 = arith.constant 0 : i32
      %dma_start3A_40 = tpu.memref_slice %arg3[%mul3A_4, %dma_start3A_39] : memref<2560x64xi32, #tpu.memory_space<hbm>> -> memref<80x64xi32, #tpu.memory_space<hbm>>
      %dma_start3A_41 = arith.constant 0 : i32
      %dma_start3A_42 = tpu.memref_slice %arg3[%mul3A_4, %dma_start3A_41] : memref<2560x64xi32, #tpu.memory_space<hbm>> -> memref<80x64xi32, #tpu.memory_space<hbm>>
      tpu.enqueue_dma source(%dma_start3A_42 : memref<80x64xi32, #tpu.memory_space<hbm>>) target(%arg8 : memref<80x64xi32, #tpu.memory_space<vmem>>) target_semaphore(%run_scoped3A : memref<!tpu.dma_semaphore, #tpu.memory_space<semaphore_mem>>)
      %dma_wait3A_43 = arith.constant 0 : i32
      %dma_wait3A_44 = tpu.memref_slice %arg3[%mul3A_4, %dma_wait3A_43] : memref<2560x64xi32, #tpu.memory_space<hbm>> -> memref<80x64xi32, #tpu.memory_space<hbm>>
      %dma_wait3A_45 = arith.constant 0 : i32
      %dma_wait3A_46 = tpu.memref_slice %arg3[%mul3A_4, %dma_wait3A_45] : memref<2560x64xi32, #tpu.memory_space<hbm>> -> memref<80x64xi32, #tpu.memory_space<hbm>>
      tpu.wait_dma2 semaphore(%run_scoped3A : memref<!tpu.dma_semaphore, #tpu.memory_space<semaphore_mem>>) src(%dma_wait3A_46 : memref<80x64xi32, #tpu.memory_space<hbm>>) dst(%arg8 : memref<80x64xi32, #tpu.memory_space<vmem>>)
      tpu.yield
    }) : () -> ()
    %mul3A_5 = arith.constant 80 : i32
    %mul3A_6 = arith.muli %add3A, %mul3A_5 : i32
    "tpu.region"() ({
      %run_scoped3A = tpu.sem_alloc : memref<!tpu.dma_semaphore, #tpu.memory_space<semaphore_mem>>
      %dma_start3A_39 = arith.constant 0 : i32
      %dma_start3A_40 = tpu.memref_slice %arg4[%mul3A_6, %dma_start3A_39] : memref<2560x64xi32, #tpu.memory_space<hbm>> -> memref<80x64xi32, #tpu.memory_space<hbm>>
      %dma_start3A_41 = arith.constant 0 : i32
      %dma_start3A_42 = tpu.memref_slice %arg4[%mul3A_6, %dma_start3A_41] : memref<2560x64xi32, #tpu.memory_space<hbm>> -> memref<80x64xi32, #tpu.memory_space<hbm>>
      tpu.enqueue_dma source(%dma_start3A_42 : memref<80x64xi32, #tpu.memory_space<hbm>>) target(%arg9 : memref<80x64xi32, #tpu.memory_space<vmem>>) target_semaphore(%run_scoped3A : memref<!tpu.dma_semaphore, #tpu.memory_space<semaphore_mem>>)
      %dma_wait3A_43 = arith.constant 0 : i32
      %dma_wait3A_44 = tpu.memref_slice %arg4[%mul3A_6, %dma_wait3A_43] : memref<2560x64xi32, #tpu.memory_space<hbm>> -> memref<80x64xi32, #tpu.memory_space<hbm>>
      %dma_wait3A_45 = arith.constant 0 : i32
      %dma_wait3A_46 = tpu.memref_slice %arg4[%mul3A_6, %dma_wait3A_45] : memref<2560x64xi32, #tpu.memory_space<hbm>> -> memref<80x64xi32, #tpu.memory_space<hbm>>
      tpu.wait_dma2 semaphore(%run_scoped3A : memref<!tpu.dma_semaphore, #tpu.memory_space<semaphore_mem>>) src(%dma_wait3A_46 : memref<80x64xi32, #tpu.memory_space<hbm>>) dst(%arg9 : memref<80x64xi32, #tpu.memory_space<vmem>>)
      tpu.yield
    }) : () -> ()
    %barrier3A = arith.constant 0 : index
    tpu.barrier barrier_id(%barrier3A)
    %dma_start3A = arith.constant 0 : i32
    %dma_start3A_7 = arith.constant 0 : i32
    %dma_start3A_8 = tpu.memref_slice %arg8[%dma_start3A, %dma_start3A_7] : memref<80x64xi32, #tpu.memory_space<vmem>> -> memref<1x64xi32, #tpu.memory_space<vmem>>
    %dma_start3A_9 = tpu.memref_squeeze %dma_start3A_8 : memref<1x64xi32, #tpu.memory_space<vmem>> -> memref<64xi32, #tpu.memory_space<vmem>>
    %dma_start3A_10 = arith.constant 0 : i32
    %dma_start3A_11 = arith.constant 0 : i32
    %dma_start3A_12 = tpu.memref_slice %arg2[%dma_start3A_10, %dma_start3A_11] : memref<10000x16xf32, #tpu.memory_space<hbm>> -> memref<10000x16xf32, #tpu.memory_space<hbm>>
    tpu.enqueue_indirect_dma source(%dma_start3A_12 : memref<10000x16xf32, #tpu.memory_space<hbm>>) target(%arg10 : memref<64x16xf32, #tpu.memory_space<vmem>>) offsets(%dma_start3A_9 : memref<64xi32, #tpu.memory_space<vmem>>) semaphore(%arg13 : memref<!tpu.dma_semaphore, #tpu.memory_space<semaphore_mem>>)
    %scan3A = arith.constant 0 : i32
    %scan3A_13 = arith.constant 0 : i32
    %scan3A_14 = arith.constant 40 : i32
    %scan3A_15 = arith.addi %scan3A_13, %scan3A_14 : i32
    %scan3A_16 = arith.constant 1 : i32
    scf.for %scan3A_39 = %scan3A_13 to %scan3A_15 step %scan3A_16  : i32 {
      %mul3A_40 = arith.constant 2 : i32
      %mul3A_41 = arith.muli %mul3A_40, %scan3A_39 : i32
      %add3A_42 = arith.constant 0 : i32
      %add3A_43 = arith.addi %mul3A_41, %add3A_42 : i32
      %add3A_44 = arith.constant 1 : i32
      %add3A_45 = arith.addi %add3A_43, %add3A_44 : i32
      %lt3A = arith.constant 80 : i32
      %lt3A_46 = arith.cmpi slt, %add3A_45, %lt3A : i32
      %convert_element_type3A_47 = arith.extui %lt3A_46 : i1 to i32
      %cond3A_48 = arith.constant 0 : i32
      %cond3A_49 = arith.cmpi ne, %convert_element_type3A_47, %cond3A_48 : i32
      scf.if %cond3A_49 {
        %ge3A = arith.constant 1 : i32
        %ge3A_85 = arith.cmpi sge, %add3A_43, %ge3A : i32
        %convert_element_type3A_86 = arith.extui %ge3A_85 : i1 to i32
        %cond3A_87 = arith.constant 0 : i32
        %cond3A_88 = arith.cmpi ne, %convert_element_type3A_86, %cond3A_87 : i32
        scf.if %cond3A_88 {
          %dma_wait3A_97 = arith.constant 0 : i32
          %dma_wait3A_98 = tpu.memref_slice %arg9[%add3A_43, %dma_wait3A_97] : memref<80x64xi32, #tpu.memory_space<vmem>> -> memref<1x64xi32, #tpu.memory_space<vmem>>
          %dma_wait3A_99 = tpu.memref_squeeze %dma_wait3A_98 : memref<1x64xi32, #tpu.memory_space<vmem>> -> memref<64xi32, #tpu.memory_space<vmem>>
          %dma_wait3A_100 = arith.constant 0 : i32
          %dma_wait3A_101 = arith.constant 0 : i32
          %dma_wait3A_102 = tpu.memref_slice %arg12[%dma_wait3A_100, %dma_wait3A_101] : memref<10112x16xf32, #tpu.memory_space<vmem_shared>> -> memref<10112x16xf32, #tpu.memory_space<vmem_shared>>
          tpu.wait_indirect_dma semaphore(%arg16 : memref<!tpu.dma_semaphore, #tpu.memory_space<semaphore_mem>>) src(%arg11 : memref<64x16xf32, #tpu.memory_space<vmem>>) dst(%dma_wait3A_102 : memref<10112x16xf32, #tpu.memory_space<vmem_shared>>)
        } else {
        }
        %add3A_89 = arith.constant 1 : i32
        %add3A_90 = arith.addi %add3A_43, %add3A_89 : i32
        %dma_start3A_91 = arith.constant 0 : i32
        %dma_start3A_92 = tpu.memref_slice %arg8[%add3A_90, %dma_start3A_91] : memref<80x64xi32, #tpu.memory_space<vmem>> -> memref<1x64xi32, #tpu.memory_space<vmem>>
        %dma_start3A_93 = tpu.memref_squeeze %dma_start3A_92 : memref<1x64xi32, #tpu.memory_space<vmem>> -> memref<64xi32, #tpu.memory_space<vmem>>
        %dma_start3A_94 = arith.constant 0 : i32
        %dma_start3A_95 = arith.constant 0 : i32
        %dma_start3A_96 = tpu.memref_slice %arg2[%dma_start3A_94, %dma_start3A_95] : memref<10000x16xf32, #tpu.memory_space<hbm>> -> memref<10000x16xf32, #tpu.memory_space<hbm>>
        tpu.enqueue_indirect_dma source(%dma_start3A_96 : memref<10000x16xf32, #tpu.memory_space<hbm>>) target(%arg11 : memref<64x16xf32, #tpu.memory_space<vmem>>) offsets(%dma_start3A_93 : memref<64xi32, #tpu.memory_space<vmem>>) semaphore(%arg14 : memref<!tpu.dma_semaphore, #tpu.memory_space<semaphore_mem>>)
      } else {
      }
      %dma_wait3A_50 = arith.constant 0 : i32
      %dma_wait3A_51 = tpu.memref_slice %arg8[%add3A_43, %dma_wait3A_50] : memref<80x64xi32, #tpu.memory_space<vmem>> -> memref<1x64xi32, #tpu.memory_space<vmem>>
      %dma_wait3A_52 = tpu.memref_squeeze %dma_wait3A_51 : memref<1x64xi32, #tpu.memory_space<vmem>> -> memref<64xi32, #tpu.memory_space<vmem>>
      %dma_wait3A_53 = arith.constant 0 : i32
      %dma_wait3A_54 = arith.constant 0 : i32
      %dma_wait3A_55 = tpu.memref_slice %arg2[%dma_wait3A_53, %dma_wait3A_54] : memref<10000x16xf32, #tpu.memory_space<hbm>> -> memref<10000x16xf32, #tpu.memory_space<hbm>>
      tpu.wait_indirect_dma semaphore(%arg13 : memref<!tpu.dma_semaphore, #tpu.memory_space<semaphore_mem>>) src(%dma_wait3A_55 : memref<10000x16xf32, #tpu.memory_space<hbm>>) dst(%arg10 : memref<64x16xf32, #tpu.memory_space<vmem>>)
      %dma_start3A_56 = arith.constant 0 : i32
      %dma_start3A_57 = tpu.memref_slice %arg9[%add3A_43, %dma_start3A_56] : memref<80x64xi32, #tpu.memory_space<vmem>> -> memref<1x64xi32, #tpu.memory_space<vmem>>
      %dma_start3A_58 = tpu.memref_squeeze %dma_start3A_57 : memref<1x64xi32, #tpu.memory_space<vmem>> -> memref<64xi32, #tpu.memory_space<vmem>>
      %dma_start3A_59 = arith.constant 0 : i32
      %dma_start3A_60 = arith.constant 0 : i32
      %dma_start3A_61 = tpu.memref_slice %arg12[%dma_start3A_59, %dma_start3A_60] : memref<10112x16xf32, #tpu.memory_space<vmem_shared>> -> memref<10112x16xf32, #tpu.memory_space<vmem_shared>>
      tpu.enqueue_indirect_dma source(%arg10 : memref<64x16xf32, #tpu.memory_space<vmem>>) target(%dma_start3A_61 : memref<10112x16xf32, #tpu.memory_space<vmem_shared>>) offsets(%dma_start3A_58 : memref<64xi32, #tpu.memory_space<vmem>>) semaphore(%arg15 : memref<!tpu.dma_semaphore, #tpu.memory_space<semaphore_mem>>) {add = true}
      %mul3A_62 = arith.constant 2 : i32
      %mul3A_63 = arith.muli %mul3A_62, %scan3A_39 : i32
      %add3A_64 = arith.constant 1 : i32
      %add3A_65 = arith.addi %mul3A_63, %add3A_64 : i32
      %add3A_66 = arith.constant 1 : i32
      %add3A_67 = arith.addi %add3A_65, %add3A_66 : i32
      %lt3A_68 = arith.constant 80 : i32
      %lt3A_69 = arith.cmpi slt, %add3A_67, %lt3A_68 : i32
      %convert_element_type3A_70 = arith.extui %lt3A_69 : i1 to i32
      %cond3A_71 = arith.constant 0 : i32
      %cond3A_72 = arith.cmpi ne, %convert_element_type3A_70, %cond3A_71 : i32
      scf.if %cond3A_72 {
        %ge3A = arith.constant 1 : i32
        %ge3A_85 = arith.cmpi sge, %add3A_65, %ge3A : i32
        %convert_element_type3A_86 = arith.extui %ge3A_85 : i1 to i32
        %cond3A_87 = arith.constant 0 : i32
        %cond3A_88 = arith.cmpi ne, %convert_element_type3A_86, %cond3A_87 : i32
        scf.if %cond3A_88 {
          %dma_wait3A_97 = arith.constant 0 : i32
          %dma_wait3A_98 = tpu.memref_slice %arg9[%add3A_65, %dma_wait3A_97] : memref<80x64xi32, #tpu.memory_space<vmem>> -> memref<1x64xi32, #tpu.memory_space<vmem>>
          %dma_wait3A_99 = tpu.memref_squeeze %dma_wait3A_98 : memref<1x64xi32, #tpu.memory_space<vmem>> -> memref<64xi32, #tpu.memory_space<vmem>>
          %dma_wait3A_100 = arith.constant 0 : i32
          %dma_wait3A_101 = arith.constant 0 : i32
          %dma_wait3A_102 = tpu.memref_slice %arg12[%dma_wait3A_100, %dma_wait3A_101] : memref<10112x16xf32, #tpu.memory_space<vmem_shared>> -> memref<10112x16xf32, #tpu.memory_space<vmem_shared>>
          tpu.wait_indirect_dma semaphore(%arg15 : memref<!tpu.dma_semaphore, #tpu.memory_space<semaphore_mem>>) src(%arg10 : memref<64x16xf32, #tpu.memory_space<vmem>>) dst(%dma_wait3A_102 : memref<10112x16xf32, #tpu.memory_space<vmem_shared>>)
        } else {
        }
        %add3A_89 = arith.constant 1 : i32
        %add3A_90 = arith.addi %add3A_65, %add3A_89 : i32
        %dma_start3A_91 = arith.constant 0 : i32
        %dma_start3A_92 = tpu.memref_slice %arg8[%add3A_90, %dma_start3A_91] : memref<80x64xi32, #tpu.memory_space<vmem>> -> memref<1x64xi32, #tpu.memory_space<vmem>>
        %dma_start3A_93 = tpu.memref_squeeze %dma_start3A_92 : memref<1x64xi32, #tpu.memory_space<vmem>> -> memref<64xi32, #tpu.memory_space<vmem>>
        %dma_start3A_94 = arith.constant 0 : i32
        %dma_start3A_95 = arith.constant 0 : i32
        %dma_start3A_96 = tpu.memref_slice %arg2[%dma_start3A_94, %dma_start3A_95] : memref<10000x16xf32, #tpu.memory_space<hbm>> -> memref<10000x16xf32, #tpu.memory_space<hbm>>
        tpu.enqueue_indirect_dma source(%dma_start3A_96 : memref<10000x16xf32, #tpu.memory_space<hbm>>) target(%arg10 : memref<64x16xf32, #tpu.memory_space<vmem>>) offsets(%dma_start3A_93 : memref<64xi32, #tpu.memory_space<vmem>>) semaphore(%arg13 : memref<!tpu.dma_semaphore, #tpu.memory_space<semaphore_mem>>)
      } else {
      }
      %dma_wait3A_73 = arith.constant 0 : i32
      %dma_wait3A_74 = tpu.memref_slice %arg8[%add3A_65, %dma_wait3A_73] : memref<80x64xi32, #tpu.memory_space<vmem>> -> memref<1x64xi32, #tpu.memory_space<vmem>>
      %dma_wait3A_75 = tpu.memref_squeeze %dma_wait3A_74 : memref<1x64xi32, #tpu.memory_space<vmem>> -> memref<64xi32, #tpu.memory_space<vmem>>
      %dma_wait3A_76 = arith.constant 0 : i32
      %dma_wait3A_77 = arith.constant 0 : i32
      %dma_wait3A_78 = tpu.memref_slice %arg2[%dma_wait3A_76, %dma_wait3A_77] : memref<10000x16xf32, #tpu.memory_space<hbm>> -> memref<10000x16xf32, #tpu.memory_space<hbm>>
      tpu.wait_indirect_dma semaphore(%arg14 : memref<!tpu.dma_semaphore, #tpu.memory_space<semaphore_mem>>) src(%dma_wait3A_78 : memref<10000x16xf32, #tpu.memory_space<hbm>>) dst(%arg11 : memref<64x16xf32, #tpu.memory_space<vmem>>)
      %dma_start3A_79 = arith.constant 0 : i32
      %dma_start3A_80 = tpu.memref_slice %arg9[%add3A_65, %dma_start3A_79] : memref<80x64xi32, #tpu.memory_space<vmem>> -> memref<1x64xi32, #tpu.memory_space<vmem>>
      %dma_start3A_81 = tpu.memref_squeeze %dma_start3A_80 : memref<1x64xi32, #tpu.memory_space<vmem>> -> memref<64xi32, #tpu.memory_space<vmem>>
      %dma_start3A_82 = arith.constant 0 : i32
      %dma_start3A_83 = arith.constant 0 : i32
      %dma_start3A_84 = tpu.memref_slice %arg12[%dma_start3A_82, %dma_start3A_83] : memref<10112x16xf32, #tpu.memory_space<vmem_shared>> -> memref<10112x16xf32, #tpu.memory_space<vmem_shared>>
      tpu.enqueue_indirect_dma source(%arg11 : memref<64x16xf32, #tpu.memory_space<vmem>>) target(%dma_start3A_84 : memref<10112x16xf32, #tpu.memory_space<vmem_shared>>) offsets(%dma_start3A_81 : memref<64xi32, #tpu.memory_space<vmem>>) semaphore(%arg16 : memref<!tpu.dma_semaphore, #tpu.memory_space<semaphore_mem>>) {add = true}
    }
    %scan3A_17 = arith.constant 40 : i32
    %dma_wait3A = arith.constant 0 : i32
    %dma_wait3A_18 = arith.constant 0 : i32
    %dma_wait3A_19 = tpu.memref_slice %arg9[%dma_wait3A, %dma_wait3A_18] : memref<80x64xi32, #tpu.memory_space<vmem>> -> memref<1x64xi32, #tpu.memory_space<vmem>>
    %dma_wait3A_20 = tpu.memref_squeeze %dma_wait3A_19 : memref<1x64xi32, #tpu.memory_space<vmem>> -> memref<64xi32, #tpu.memory_space<vmem>>
    %dma_wait3A_21 = arith.constant 0 : i32
    %dma_wait3A_22 = arith.constant 0 : i32
    %dma_wait3A_23 = tpu.memref_slice %arg12[%dma_wait3A_21, %dma_wait3A_22] : memref<10112x16xf32, #tpu.memory_space<vmem_shared>> -> memref<10112x16xf32, #tpu.memory_space<vmem_shared>>
    tpu.wait_indirect_dma semaphore(%arg15 : memref<!tpu.dma_semaphore, #tpu.memory_space<semaphore_mem>>) src(%arg10 : memref<64x16xf32, #tpu.memory_space<vmem>>) dst(%dma_wait3A_23 : memref<10112x16xf32, #tpu.memory_space<vmem_shared>>)
    %dma_wait3A_24 = arith.constant 0 : i32
    %dma_wait3A_25 = arith.constant 0 : i32
    %dma_wait3A_26 = tpu.memref_slice %arg9[%dma_wait3A_24, %dma_wait3A_25] : memref<80x64xi32, #tpu.memory_space<vmem>> -> memref<1x64xi32, #tpu.memory_space<vmem>>
    %dma_wait3A_27 = tpu.memref_squeeze %dma_wait3A_26 : memref<1x64xi32, #tpu.memory_space<vmem>> -> memref<64xi32, #tpu.memory_space<vmem>>
    %dma_wait3A_28 = arith.constant 0 : i32
    %dma_wait3A_29 = arith.constant 0 : i32
    %dma_wait3A_30 = tpu.memref_slice %arg12[%dma_wait3A_28, %dma_wait3A_29] : memref<10112x16xf32, #tpu.memory_space<vmem_shared>> -> memref<10112x16xf32, #tpu.memory_space<vmem_shared>>
    tpu.wait_indirect_dma semaphore(%arg16 : memref<!tpu.dma_semaphore, #tpu.memory_space<semaphore_mem>>) src(%arg11 : memref<64x16xf32, #tpu.memory_space<vmem>>) dst(%dma_wait3A_30 : memref<10112x16xf32, #tpu.memory_space<vmem_shared>>)
    %barrier3A_31 = arith.constant 0 : index
    tpu.barrier barrier_id(%barrier3A_31)
    %eq3A = arith.constant 0 : i32
    %eq3A_32 = arith.cmpi eq, %arg0, %eq3A : i32
    %convert_element_type3A = arith.extui %eq3A_32 : i1 to i32
    %cond3A = arith.constant 0 : i32
    %cond3A_33 = arith.cmpi ne, %convert_element_type3A, %cond3A : i32
    scf.if %cond3A_33 {
      "tpu.region"() ({
        %run_scoped3A = tpu.sem_alloc : memref<!tpu.dma_semaphore, #tpu.memory_space<semaphore_mem>>
        %dma_start3A_39 = arith.constant 0 : i32
        %dma_start3A_40 = tpu.memref_slice %arg6[%mul3A_0, %dma_start3A_39] : memref<10112x16xf32, #tpu.memory_space<hbm>> -> memref<632x16xf32, #tpu.memory_space<hbm>>
        %dma_start3A_41 = arith.constant 0 : i32
        %dma_start3A_42 = tpu.memref_slice %arg12[%mul3A_0, %dma_start3A_41] : memref<10112x16xf32, #tpu.memory_space<vmem_shared>> -> memref<632x16xf32, #tpu.memory_space<vmem_shared>>
        tpu.enqueue_dma source(%dma_start3A_42 : memref<632x16xf32, #tpu.memory_space<vmem_shared>>) target(%dma_start3A_40 : memref<632x16xf32, #tpu.memory_space<hbm>>) target_semaphore(%run_scoped3A : memref<!tpu.dma_semaphore, #tpu.memory_space<semaphore_mem>>)
        %dma_wait3A_43 = arith.constant 0 : i32
        %dma_wait3A_44 = tpu.memref_slice %arg6[%mul3A_0, %dma_wait3A_43] : memref<10112x16xf32, #tpu.memory_space<hbm>> -> memref<632x16xf32, #tpu.memory_space<hbm>>
        %dma_wait3A_45 = arith.constant 0 : i32
        %dma_wait3A_46 = tpu.memref_slice %arg12[%mul3A_0, %dma_wait3A_45] : memref<10112x16xf32, #tpu.memory_space<vmem_shared>> -> memref<632x16xf32, #tpu.memory_space<vmem_shared>>
        tpu.wait_dma2 semaphore(%run_scoped3A : memref<!tpu.dma_semaphore, #tpu.memory_space<semaphore_mem>>) src(%dma_wait3A_46 : memref<632x16xf32, #tpu.memory_space<vmem_shared>>) dst(%dma_wait3A_44 : memref<632x16xf32, #tpu.memory_space<hbm>>)
        tpu.yield
      }) : () -> ()
    } else {
    }
    %eq3A_34 = arith.constant 1 : i32
    %eq3A_35 = arith.cmpi eq, %arg0, %eq3A_34 : i32
    %convert_element_type3A_36 = arith.extui %eq3A_35 : i1 to i32
    %cond3A_37 = arith.constant 0 : i32
    %cond3A_38 = arith.cmpi ne, %convert_element_type3A_36, %cond3A_37 : i32
    scf.if %cond3A_38 {
      "tpu.region"() ({
        %run_scoped3A = tpu.sem_alloc : memref<!tpu.dma_semaphore, #tpu.memory_space<semaphore_mem>>
        %dma_start3A_39 = arith.constant 0 : i32
        %dma_start3A_40 = tpu.memref_slice %arg7[%mul3A_0, %dma_start3A_39] : memref<10112x16xf32, #tpu.memory_space<hbm>> -> memref<632x16xf32, #tpu.memory_space<hbm>>
        %dma_start3A_41 = arith.constant 0 : i32
        %dma_start3A_42 = tpu.memref_slice %arg12[%mul3A_0, %dma_start3A_41] : memref<10112x16xf32, #tpu.memory_space<vmem_shared>> -> memref<632x16xf32, #tpu.memory_space<vmem_shared>>
        tpu.enqueue_dma source(%dma_start3A_42 : memref<632x16xf32, #tpu.memory_space<vmem_shared>>) target(%dma_start3A_40 : memref<632x16xf32, #tpu.memory_space<hbm>>) target_semaphore(%run_scoped3A : memref<!tpu.dma_semaphore, #tpu.memory_space<semaphore_mem>>)
        %dma_wait3A_43 = arith.constant 0 : i32
        %dma_wait3A_44 = tpu.memref_slice %arg7[%mul3A_0, %dma_wait3A_43] : memref<10112x16xf32, #tpu.memory_space<hbm>> -> memref<632x16xf32, #tpu.memory_space<hbm>>
        %dma_wait3A_45 = arith.constant 0 : i32
        %dma_wait3A_46 = tpu.memref_slice %arg12[%mul3A_0, %dma_wait3A_45] : memref<10112x16xf32, #tpu.memory_space<vmem_shared>> -> memref<632x16xf32, #tpu.memory_space<vmem_shared>>
        tpu.wait_dma2 semaphore(%run_scoped3A : memref<!tpu.dma_semaphore, #tpu.memory_space<semaphore_mem>>) src(%dma_wait3A_46 : memref<632x16xf32, #tpu.memory_space<vmem_shared>>) dst(%dma_wait3A_44 : memref<632x16xf32, #tpu.memory_space<hbm>>)
        tpu.yield
      }) : () -> ()
    } else {
    }
    return
  }
}

module attributes {stable_mosaic.version = 14 : i64} {
  func.func @body(%arg0: i32, %arg1: memref<1000x256xf32, #tpu.memory_space<vmem>>, %arg2: memref<1000x128xf32, #tpu.memory_space<vmem>>, %arg3: memref<1000x128xf32, #tpu.memory_space<vmem>>, %arg4: memref<1000x16xf32, #tpu.memory_space<vmem>>, %arg5: memref<256x256xf32, #tpu.memory_space<vmem>>, %arg6: memref<128x256xf32, #tpu.memory_space<vmem>>, %arg7: memref<128x256xf32, #tpu.memory_space<vmem>>, %arg8: memref<1x256xf32, #tpu.memory_space<vmem>>, %arg9: memref<256x16xf32, #tpu.memory_space<vmem>>, %arg10: memref<1x16xf32, #tpu.memory_space<vmem>>, %arg11: memref<256x16xf32, #tpu.memory_space<vmem>>, %arg12: memref<1000x16xf32, #tpu.memory_space<vmem>>, %arg13: memref<1000x16xf32, #tpu.memory_space<vmem>>) attributes {dimension_semantics = [#tpu.dimension_semantics<arbitrary>], iteration_bounds = array<i64: 10>, scalar_prefetch = 0 : i64, scratch_operands = 0 : i64, tpu.core_type = #tpu.core_type<tc>, window_params = [{transform_indices = @transform_0, window_bounds = array<i64: 1000, 256>}, {transform_indices = @transform_1, window_bounds = array<i64: 1000, 128>}, {transform_indices = @transform_2, window_bounds = array<i64: 1000, 128>}, {transform_indices = @transform_3, window_bounds = array<i64: 1000, 16>}, {pipeline_mode = #tpu.pipeline_mode<synchronous>, transform_indices = @transform_4, window_bounds = array<i64: 256, 256>}, {pipeline_mode = #tpu.pipeline_mode<synchronous>, transform_indices = @transform_5, window_bounds = array<i64: 128, 256>}, {pipeline_mode = #tpu.pipeline_mode<synchronous>, transform_indices = @transform_6, window_bounds = array<i64: 128, 256>}, {pipeline_mode = #tpu.pipeline_mode<synchronous>, transform_indices = @transform_7, window_bounds = array<i64: 1, 256>}, {pipeline_mode = #tpu.pipeline_mode<synchronous>, transform_indices = @transform_8, window_bounds = array<i64: 256, 16>}, {pipeline_mode = #tpu.pipeline_mode<synchronous>, transform_indices = @transform_9, window_bounds = array<i64: 1, 16>}, {pipeline_mode = #tpu.pipeline_mode<synchronous>, transform_indices = @transform_10, window_bounds = array<i64: 256, 16>}, {transform_indices = @transform_11, window_bounds = array<i64: 1000, 16>}, {transform_indices = @transform_12, window_bounds = array<i64: 1000, 16>}]} {
    %get3A = arith.constant 0 : index
    %get3A_0 = arith.constant 0 : index
    %get3A_1 = vector.load %arg4[%get3A, %get3A_0] : memref<1000x16xf32, #tpu.memory_space<vmem>>, vector<1000x16xf32>
    %slice3A = vector.extract_strided_slice %get3A_1 {offsets = [0, 0], sizes = [1000, 1], strides = [1, 1]} : vector<1000x16xf32> to vector<1000x1xf32>
    %get3A_2 = arith.constant 0 : index
    %get3A_3 = arith.constant 0 : index
    %get3A_4 = vector.load %arg1[%get3A_2, %get3A_3] : memref<1000x256xf32, #tpu.memory_space<vmem>>, vector<1000x256xf32>
    %get3A_5 = arith.constant 0 : index
    %get3A_6 = arith.constant 0 : index
    %get3A_7 = vector.load %arg5[%get3A_5, %get3A_6] : memref<256x256xf32, #tpu.memory_space<vmem>>, vector<256x256xf32>
    %dot_general3A = arith.constant dense<0.000000e+00> : vector<1000x256xf32>
    %dot_general3A_8 = tpu.matmul %get3A_4, %get3A_7, %dot_general3A {dimension_numbers = #tpu.dot_dimension_numbers<[1], [0], [0], [1], [0, 0, 1, 1], [], []>, transpose_lhs_hint = false} : vector<1000x256xf32>, vector<256x256xf32>, vector<1000x256xf32> -> vector<1000x256xf32>
    %get3A_9 = arith.constant 0 : index
    %get3A_10 = arith.constant 0 : index
    %get3A_11 = vector.load %arg8[%get3A_9, %get3A_10] : memref<1x256xf32, #tpu.memory_space<vmem>>, vector<1x256xf32>
    %add3A = vector.broadcast %get3A_11 : vector<1x256xf32> to vector<1000x256xf32>
    %add3A_12 = arith.addf %dot_general3A_8, %add3A : vector<1000x256xf32>
    %get3A_13 = arith.constant 0 : index
    %get3A_14 = arith.constant 0 : index
    %get3A_15 = vector.load %arg2[%get3A_13, %get3A_14] : memref<1000x128xf32, #tpu.memory_space<vmem>>, vector<1000x128xf32>
    %get3A_16 = arith.constant 0 : index
    %get3A_17 = arith.constant 0 : index
    %get3A_18 = vector.load %arg6[%get3A_16, %get3A_17] : memref<128x256xf32, #tpu.memory_space<vmem>>, vector<128x256xf32>
    %dot_general3A_19 = arith.constant dense<0.000000e+00> : vector<1000x256xf32>
    %dot_general3A_20 = tpu.matmul %get3A_15, %get3A_18, %dot_general3A_19 {dimension_numbers = #tpu.dot_dimension_numbers<[1], [0], [0], [1], [0, 0, 1, 1], [], []>, transpose_lhs_hint = false} : vector<1000x128xf32>, vector<128x256xf32>, vector<1000x256xf32> -> vector<1000x256xf32>
    %get3A_21 = arith.constant 0 : index
    %get3A_22 = arith.constant 0 : index
    %get3A_23 = vector.load %arg3[%get3A_21, %get3A_22] : memref<1000x128xf32, #tpu.memory_space<vmem>>, vector<1000x128xf32>
    %get3A_24 = arith.constant 0 : index
    %get3A_25 = arith.constant 0 : index
    %get3A_26 = vector.load %arg7[%get3A_24, %get3A_25] : memref<128x256xf32, #tpu.memory_space<vmem>>, vector<128x256xf32>
    %dot_general3A_27 = arith.constant dense<0.000000e+00> : vector<1000x256xf32>
    %dot_general3A_28 = tpu.matmul %get3A_23, %get3A_26, %dot_general3A_27 {dimension_numbers = #tpu.dot_dimension_numbers<[1], [0], [0], [1], [0, 0, 1, 1], [], []>, transpose_lhs_hint = false} : vector<1000x128xf32>, vector<128x256xf32>, vector<1000x256xf32> -> vector<1000x256xf32>
    %add3A_29 = arith.addf %dot_general3A_20, %dot_general3A_28 : vector<1000x256xf32>
    %mul3A = vector.broadcast %slice3A : vector<1000x1xf32> to vector<1000x256xf32>
    %mul3A_30 = arith.mulf %mul3A, %add3A_12 : vector<1000x256xf32>
    %add3A_31 = arith.addf %mul3A_30, %add3A_29 : vector<1000x256xf32>
    %max3A = arith.constant 0.000000e+00 : f32
    %max3A_32 = vector.broadcast %max3A : f32 to vector<1000x256xf32>
    %max3A_33 = arith.maximumf %add3A_31, %max3A_32 : vector<1000x256xf32>
    %get3A_34 = arith.constant 0 : index
    %get3A_35 = arith.constant 0 : index
    %get3A_36 = vector.load %arg11[%get3A_34, %get3A_35] : memref<256x16xf32, #tpu.memory_space<vmem>>, vector<256x16xf32>
    %dot_general3A_37 = arith.constant dense<0.000000e+00> : vector<1000x16xf32>
    %dot_general3A_38 = tpu.matmul %max3A_33, %get3A_36, %dot_general3A_37 {dimension_numbers = #tpu.dot_dimension_numbers<[1], [0], [0], [1], [0, 0, 1, 1], [], []>, transpose_lhs_hint = false} : vector<1000x256xf32>, vector<256x16xf32>, vector<1000x16xf32> -> vector<1000x16xf32>
    %swap3A = arith.constant 0 : index
    %swap3A_39 = arith.constant 0 : index
    %swap3A_40 = vector.load %arg12[%swap3A, %swap3A_39] : memref<1000x16xf32, #tpu.memory_space<vmem>>, vector<1000x16xf32>
    tpu.vector_store %arg12[%swap3A, %swap3A_39], %dot_general3A_38 {strides = array<i32>} : memref<1000x16xf32, #tpu.memory_space<vmem>>, vector<1000x16xf32>,
    %get3A_41 = arith.constant 0 : index
    %get3A_42 = arith.constant 0 : index
    %get3A_43 = vector.load %arg9[%get3A_41, %get3A_42] : memref<256x16xf32, #tpu.memory_space<vmem>>, vector<256x16xf32>
    %dot_general3A_44 = arith.constant dense<0.000000e+00> : vector<1000x16xf32>
    %dot_general3A_45 = tpu.matmul %max3A_33, %get3A_43, %dot_general3A_44 {dimension_numbers = #tpu.dot_dimension_numbers<[1], [0], [0], [1], [0, 0, 1, 1], [], []>, transpose_lhs_hint = false} : vector<1000x256xf32>, vector<256x16xf32>, vector<1000x16xf32> -> vector<1000x16xf32>
    %get3A_46 = arith.constant 0 : index
    %get3A_47 = arith.constant 0 : index
    %get3A_48 = vector.load %arg10[%get3A_46, %get3A_47] : memref<1x16xf32, #tpu.memory_space<vmem>>, vector<1x16xf32>
    %add3A_49 = vector.broadcast %get3A_48 : vector<1x16xf32> to vector<1000x16xf32>
    %add3A_50 = arith.addf %dot_general3A_45, %add3A_49 : vector<1000x16xf32>
    %mul3A_51 = vector.broadcast %slice3A : vector<1000x1xf32> to vector<1000x16xf32>
    %mul3A_52 = arith.mulf %mul3A_51, %add3A_50 : vector<1000x16xf32>
    %swap3A_53 = arith.constant 0 : index
    %swap3A_54 = arith.constant 0 : index
    %swap3A_55 = vector.load %arg13[%swap3A_53, %swap3A_54] : memref<1000x16xf32, #tpu.memory_space<vmem>>, vector<1000x16xf32>
    tpu.vector_store %arg13[%swap3A_53, %swap3A_54], %mul3A_52 {strides = array<i32>} : memref<1000x16xf32, #tpu.memory_space<vmem>>, vector<1000x16xf32>,
    return
  }
  func.func @transform_0(%arg0: i32) -> (i32, i32) {
    %c0_i32 = arith.constant 0 : i32
    %c0_i32_0 = arith.constant 0 : i32
    return %arg0, %c0_i32 : i32, i32
  }
  func.func @transform_1(%arg0: i32) -> (i32, i32) {
    %c0_i32 = arith.constant 0 : i32
    %c0_i32_0 = arith.constant 0 : i32
    return %arg0, %c0_i32 : i32, i32
  }
  func.func @transform_2(%arg0: i32) -> (i32, i32) {
    %c0_i32 = arith.constant 0 : i32
    %c0_i32_0 = arith.constant 0 : i32
    return %arg0, %c0_i32 : i32, i32
  }
  func.func @transform_3(%arg0: i32) -> (i32, i32) {
    %c0_i32 = arith.constant 0 : i32
    %c0_i32_0 = arith.constant 0 : i32
    return %arg0, %c0_i32 : i32, i32
  }
  func.func @transform_4(%arg0: i32) -> (i32, i32) {
    %c0_i32 = arith.constant 0 : i32
    %c0_i32_0 = arith.constant 0 : i32
    %c0_i32_1 = arith.constant 0 : i32
    return %c0_i32, %c0_i32_0 : i32, i32
  }
  func.func @transform_5(%arg0: i32) -> (i32, i32) {
    %c0_i32 = arith.constant 0 : i32
    %c0_i32_0 = arith.constant 0 : i32
    %c0_i32_1 = arith.constant 0 : i32
    return %c0_i32, %c0_i32_0 : i32, i32
  }
  func.func @transform_6(%arg0: i32) -> (i32, i32) {
    %c0_i32 = arith.constant 0 : i32
    %c0_i32_0 = arith.constant 0 : i32
    %c0_i32_1 = arith.constant 0 : i32
    return %c0_i32, %c0_i32_0 : i32, i32
  }
  func.func @transform_7(%arg0: i32) -> (i32, i32) {
    %c0_i32 = arith.constant 0 : i32
    %c0_i32_0 = arith.constant 0 : i32
    %c0_i32_1 = arith.constant 0 : i32
    return %c0_i32, %c0_i32_0 : i32, i32
  }
  func.func @transform_8(%arg0: i32) -> (i32, i32) {
    %c0_i32 = arith.constant 0 : i32
    %c0_i32_0 = arith.constant 0 : i32
    %c0_i32_1 = arith.constant 0 : i32
    return %c0_i32, %c0_i32_0 : i32, i32
  }
  func.func @transform_9(%arg0: i32) -> (i32, i32) {
    %c0_i32 = arith.constant 0 : i32
    %c0_i32_0 = arith.constant 0 : i32
    %c0_i32_1 = arith.constant 0 : i32
    return %c0_i32, %c0_i32_0 : i32, i32
  }
  func.func @transform_10(%arg0: i32) -> (i32, i32) {
    %c0_i32 = arith.constant 0 : i32
    %c0_i32_0 = arith.constant 0 : i32
    %c0_i32_1 = arith.constant 0 : i32
    return %c0_i32, %c0_i32_0 : i32, i32
  }
  func.func @transform_11(%arg0: i32) -> (i32, i32) {
    %c0_i32 = arith.constant 0 : i32
    %c0_i32_0 = arith.constant 0 : i32
    return %arg0, %c0_i32 : i32, i32
  }
  func.func @transform_12(%arg0: i32) -> (i32, i32) {
    %c0_i32 = arith.constant 0 : i32
    %c0_i32_0 = arith.constant 0 : i32
    return %arg0, %c0_i32 : i32, i32
  }
}

module attributes {stable_mosaic.version = 14 : i64} {
  func.func @body(%arg0: i32, %arg1: memref<1000x16xf32, #tpu.memory_space<vmem>>, %arg2: memref<1000x16xf32, #tpu.memory_space<vmem>>, %arg3: memref<1000x16xf32, #tpu.memory_space<vmem>>, %arg4: memref<1000x1xi32, #tpu.memory_space<vmem>>, %arg5: memref<1x16xf32, #tpu.memory_space<vmem>>, %arg6: memref<1x1xf32, #tpu.memory_space<vmem>>, %arg7: memref<1x64xf32, #tpu.memory_space<vmem>>) attributes {dimension_semantics = [#tpu.dimension_semantics<arbitrary>], iteration_bounds = array<i64: 10>, scalar_prefetch = 0 : i64, scratch_operands = 0 : i64, tpu.core_type = #tpu.core_type<tc>, window_params = [{transform_indices = @transform_0, window_bounds = array<i64: 1000, 16>}, {transform_indices = @transform_1, window_bounds = array<i64: 1000, 16>}, {transform_indices = @transform_2, window_bounds = array<i64: 1000, 16>}, {transform_indices = @transform_3, window_bounds = array<i64: 1000, 1>}, {pipeline_mode = #tpu.pipeline_mode<synchronous>, transform_indices = @transform_4, window_bounds = array<i64: 1, 16>}, {pipeline_mode = #tpu.pipeline_mode<synchronous>, transform_indices = @transform_5, window_bounds = array<i64: 1, 1>}, {pipeline_mode = #tpu.pipeline_mode<synchronous>, transform_indices = @transform_6, window_bounds = array<i64: 1, 64>}]} {
    %get3A = arith.constant 0 : index
    %get3A_0 = arith.constant 0 : index
    %get3A_1 = vector.load %arg1[%get3A, %get3A_0] : memref<1000x16xf32, #tpu.memory_space<vmem>>, vector<1000x16xf32>
    %get3A_2 = arith.constant 0 : index
    %get3A_3 = arith.constant 0 : index
    %get3A_4 = vector.load %arg2[%get3A_2, %get3A_3] : memref<1000x16xf32, #tpu.memory_space<vmem>>, vector<1000x16xf32>
    %add3A = arith.addf %get3A_1, %get3A_4 : vector<1000x16xf32>
    %get3A_5 = arith.constant 0 : index
    %get3A_6 = arith.constant 0 : index
    %get3A_7 = vector.load %arg3[%get3A_5, %get3A_6] : memref<1000x16xf32, #tpu.memory_space<vmem>>, vector<1000x16xf32>
    %add3A_8 = arith.addf %add3A, %get3A_7 : vector<1000x16xf32>
    %max3A = arith.constant 0.000000e+00 : f32
    %max3A_9 = vector.broadcast %max3A : f32 to vector<1000x16xf32>
    %max3A_10 = arith.maximumf %add3A_8, %max3A_9 : vector<1000x16xf32>
    %get3A_11 = arith.constant 0 : index
    %get3A_12 = arith.constant 0 : index
    %get3A_13 = vector.load %arg5[%get3A_11, %get3A_12] : memref<1x16xf32, #tpu.memory_space<vmem>>, vector<1x16xf32>
    %mul3A = vector.broadcast %get3A_13 : vector<1x16xf32> to vector<1000x16xf32>
    %mul3A_14 = arith.mulf %max3A_10, %mul3A : vector<1000x16xf32>
    %reduce_sum3A = arith.constant dense<0.000000e+00> : vector<1000xf32>
    %reduce_sum3A_15 = vector.multi_reduction <add>, %mul3A_14, %reduce_sum3A [1] : vector<1000x16xf32> to vector<1000xf32>
    %broadcast_in_dim3A = vector.shape_cast %reduce_sum3A_15 : vector<1000xf32> to vector<1000x1xf32>
    %get3A_16 = arith.constant 0 : index
    %get3A_17 = arith.constant 0 : index
    %get3A_18 = vector.load %arg6[%get3A_16, %get3A_17] : memref<1x1xf32, #tpu.memory_space<vmem>>, vector<1x1xf32>
    %get3A_19 = vector.extract %get3A_18[0, 0] : f32 from vector<1x1xf32>
    %add3A_20 = vector.broadcast %get3A_19 : f32 to vector<1000x1xf32>
    %add3A_21 = arith.addf %broadcast_in_dim3A, %add3A_20 : vector<1000x1xf32>
    %iota3A = tpu.iota {dimensions = array<i32: 1>} : vector<1000x64xi32>
    %get3A_22 = arith.constant 0 : index
    %get3A_23 = arith.constant 0 : index
    %get3A_24 = vector.load %arg4[%get3A_22, %get3A_23] : memref<1000x1xi32, #tpu.memory_space<vmem>>, vector<1000x1xi32>
    %eq3A = vector.broadcast %get3A_24 : vector<1000x1xi32> to vector<1000x64xi32>
    %eq3A_25 = arith.cmpi eq, %eq3A, %iota3A : vector<1000x64xi32>
    %convert_element_type3A = arith.extui %eq3A_25 : vector<1000x64xi1> to vector<1000x64xi32>
    %convert_element_type3A_26 = arith.sitofp %convert_element_type3A : vector<1000x64xi32> to vector<1000x64xf32>
    %mul3A_27 = vector.broadcast %add3A_21 : vector<1000x1xf32> to vector<1000x64xf32>
    %mul3A_28 = arith.mulf %convert_element_type3A_26, %mul3A_27 : vector<1000x64xf32>
    %reduce_sum3A_29 = arith.constant dense<0.000000e+00> : vector<64xf32>
    %reduce_sum3A_30 = vector.multi_reduction <add>, %mul3A_28, %reduce_sum3A_29 [0] : vector<1000x64xf32> to vector<64xf32>
    %broadcast_in_dim3A_31 = vector.shape_cast %reduce_sum3A_30 : vector<64xf32> to vector<1x64xf32>
    %eq3A_32 = arith.constant 0 : i32
    %eq3A_33 = arith.cmpi eq, %arg0, %eq3A_32 : i32
    %convert_element_type3A_34 = arith.extui %eq3A_33 : i1 to i32
    %cond3A = arith.constant 0 : i32
    %cond3A_35 = arith.cmpi ne, %convert_element_type3A_34, %cond3A : i32
    scf.if %cond3A_35 {
      %broadcast_in_dim3A_42 = arith.constant 0.000000e+00 : f32
      %broadcast_in_dim3A_43 = vector.broadcast %broadcast_in_dim3A_42 : f32 to vector<1x64xf32>
      %swap3A_44 = arith.constant 0 : index
      %swap3A_45 = arith.constant 0 : index
      %swap3A_46 = vector.load %arg7[%swap3A_44, %swap3A_45] : memref<1x64xf32, #tpu.memory_space<vmem>>, vector<1x64xf32>
      tpu.vector_store %arg7[%swap3A_44, %swap3A_45], %broadcast_in_dim3A_43 {strides = array<i32>} : memref<1x64xf32, #tpu.memory_space<vmem>>, vector<1x64xf32>,
    } else {
    }
    %get3A_36 = arith.constant 0 : index
    %get3A_37 = arith.constant 0 : index
    %get3A_38 = vector.load %arg7[%get3A_36, %get3A_37] : memref<1x64xf32, #tpu.memory_space<vmem>>, vector<1x64xf32>
    %add3A_39 = arith.addf %get3A_38, %broadcast_in_dim3A_31 : vector<1x64xf32>
    %swap3A = arith.constant 0 : index
    %swap3A_40 = arith.constant 0 : index
    %swap3A_41 = vector.load %arg7[%swap3A, %swap3A_40] : memref<1x64xf32, #tpu.memory_space<vmem>>, vector<1x64xf32>
    tpu.vector_store %arg7[%swap3A, %swap3A_40], %add3A_39 {strides = array<i32>} : memref<1x64xf32, #tpu.memory_space<vmem>>, vector<1x64xf32>,
    return
  }
  func.func @transform_0(%arg0: i32) -> (i32, i32) {
    %c0_i32 = arith.constant 0 : i32
    %c0_i32_0 = arith.constant 0 : i32
    return %arg0, %c0_i32 : i32, i32
  }
  func.func @transform_1(%arg0: i32) -> (i32, i32) {
    %c0_i32 = arith.constant 0 : i32
    %c0_i32_0 = arith.constant 0 : i32
    return %arg0, %c0_i32 : i32, i32
  }
  func.func @transform_2(%arg0: i32) -> (i32, i32) {
    %c0_i32 = arith.constant 0 : i32
    %c0_i32_0 = arith.constant 0 : i32
    return %arg0, %c0_i32 : i32, i32
  }
  func.func @transform_3(%arg0: i32) -> (i32, i32) {
    %c0_i32 = arith.constant 0 : i32
    %c0_i32_0 = arith.constant 0 : i32
    return %arg0, %c0_i32 : i32, i32
  }
  func.func @transform_4(%arg0: i32) -> (i32, i32) {
    %c0_i32 = arith.constant 0 : i32
    %c0_i32_0 = arith.constant 0 : i32
    %c0_i32_1 = arith.constant 0 : i32
    return %c0_i32, %c0_i32_0 : i32, i32
  }
  func.func @transform_5(%arg0: i32) -> (i32, i32) {
    %c0_i32 = arith.constant 0 : i32
    %c0_i32_0 = arith.constant 0 : i32
    %c0_i32_1 = arith.constant 0 : i32
    return %c0_i32, %c0_i32_0 : i32, i32
  }
  func.func @transform_6(%arg0: i32) -> (i32, i32) {
    %c0_i32 = arith.constant 0 : i32
    %c0_i32_0 = arith.constant 0 : i32
    %c0_i32_1 = arith.constant 0 : i32
    return %c0_i32, %c0_i32_0 : i32, i32
  }
}

</mosaic_0001>

<sc_bundles>
// kernel: kernel.6.cloned.1.call-start
scs
__scs_entry_jumppad:
0x0: {  	(pc) =	sbr.rel $0x88, $3  }
0x1: {  	(tag) =	ssettag $0x0;
	lr =	simm.s32 $0x1  }
0x2: {  	[smem:$0x3F98] =	sst lr;
	_ =	strace $0xD0000000  }
0x3: {  	_ = 	snop  }
0x4: {  	_ = 	snop  }
0x5: {  	_ = 	snop  }
0x6: {  	_ = 	snop  }
0x7: {  	_ = 	snop  }
__scs_overlays_trampoline_lowered:
0x8: {  	[smem:$0x3FA7] =	sst s0  }
0x9: {  	[smem:$0x3FA8] =	sst s1  }
0xa: {  	[smem:$0x3FA9] =	sst s2  }
0xb: {  	[smem:$0x3FAA] =	sst s3  }
0xc: {  	[smem:$0x3FAB] =	sst s4  }
0xd: {  	[smem:$0x3FAC] =	sst s5  }
0xe: {  	[smem:$0x3FAD] =	sst s6  }
0xf: {  	[smem:$0x3FAE] =	sst s7  }
0x10: {  	[smem:$0x3FAF] =	sst s8  }
0x11: {  	[smem:$0x3FB0] =	sst s9;
	s0 =	simm.s32 @!p0 $0x0  }
0x12: {  	s1 =	sld [smem:$0x3F96];
	s0 =	simm.s32 @p0 $0x1  }
0x13: {  	[smem:$0x3FB1] =	sst s0;
	s0 =	simm.s32 @!p1 $0x0  }
0x14: {  	s2 =	sld [smem:$0x3F95];
	s0 =	simm.s32 @p1 $0x1  }
0x15: {  	[smem:$0x3FB2] =	sst s0;
	s0 =	simm.s32 @!p2 $0x0  }
0x16: {  	s3 =	sld [smem:$0x3FDB];
	s0 =	simm.s32 @p2 $0x1  }
0x17: {  	s4 =	simm.s32 $0x1BF5;
	[smem:$0x3FB4] =	sst s0  }
0x18: {  	s0 =	sld [smem:$0x3F97];
	_ =	swait.ge [sflag:s4], $0x0  }
0x19: {  	s7 =	sld [smem:$0x3F98]  }
0x1a: {  	s8 =	sadd.s32 $0xFFFFE003, lr  }
0x1b: {  	s9 =	sadd.s32 $0xFFFFFEF7, lr;
	s5 =	simm.s32 $0xFFFFFFFF;
	p2 =	slt.u32 s8, $0xFFFFF086  }
0x1c: {  	p1 =	slt.u32 s9, $0xF7A;
	s5 =	simm.s32 @!p2 $0x0  }
0x1d: {  	s5 =	simm.s32 @p1 $0x1;
	p0 =	seq.s32 s7, s2  }
0x1e: {  	s7 =	smul.u32 @!p0 $0xF7A, s2;
	p2 =	seq.s32 @!p0 s5, $0x0  }
0x1f: {  	s9 =	smul.u32 $0xF7A, s1;
	s8 =	simm.s32 @!p0 $0x1BF5;
	p2 =	por !p2, p0  }
0x20: {  	[sflag:s8] =	ssyncset.s32 @!p0 $0xFFFFF086;
	s6 =	sadd.s32 @!p0 s3, s7;
	s7 =	simm.s32 @!p0 $0x108  }
0x21: {  	s3 =	sadd.s32 s3, s9;
	s6 =	sadd.s32 @!p0 $0x88, s6;
	s7 =	simm.s32 @p2 $0x1082  }
0x22: {  	[simem:s7], [sflag:s8] =	dma.local @!p0 [hbm:s6], $0xF7A  }
0x23: {  	s9 =	sor.u32 $0xD0000000, s2;
	s6 =	simm.s32 $0x108;
	_ =	swait.ge @!p0 [sflag:s8], $0x0  }
0x24: {  	s3 =	sadd.s32 $0x88, s3;
	s6 =	simm.s32 @!p1 $0x1082;
	[sflag:s4] =	ssyncset.s32 $0xFFFFF086  }
0x25: {  	[simem:s6], [sflag:s4] =	dma.local [hbm:s3], $0xF7A  }
0x26: {  	[smem:$0x3F98] =	sst s1;
	(tag) =	ssettag s2;
	_ =	strace s9  }
0x27: {  	s1 =	sld [smem:$0x3FA8]  }
0x28: {  	s2 =	sld [smem:$0x3FA9]  }
0x29: {  	s4 =	sld [smem:$0x3FAB]  }
0x2a: {  	p0 =	seq.s32 s5, $0x0;
	s5 =	sld [smem:$0x3FAC]  }
0x2b: {  	s6 =	sld [smem:$0x3FAD]  }
0x2c: {  	s7 =	sld [smem:$0x3FAE]  }
0x2d: {  	s3 =	simm.s32 $0x108;
	s8 =	sld [smem:$0x3FAF]  }
0x2e: {  	s3 =	simm.s32 @!p0 $0x1082;
	s9 =	sld [smem:$0x3FB0]  }
0x2f: {  	lr =	sadd.s32 s0, s3;
	s0 =	sld [smem:$0x3FA7]  }
0x30: {  	s3 =	sld [smem:$0x3FAA]  }
0x31: {  	[smem:$0x3FB3] =	sst s10  }
0x32: {  	s10 =	sld [smem:$0x3FB1];
	_ =	sdelay $0x3  }
0x33: {  	p0 =	seq.s32 s10, $0x1;
	s10 =	sld [smem:$0x3FB3];
	_ =	sdelay $0x3  }
0x34: {  	[smem:$0x3FB3] =	sst s10  }
0x35: {  	s10 =	sld [smem:$0x3FB2];
	_ =	sdelay $0x3  }
0x36: {  	p1 =	seq.s32 s10, $0x1;
	s10 =	sld [smem:$0x3FB3];
	_ =	sdelay $0x3  }
0x37: {  	[smem:$0x3FB3] =	sst s10  }
0x38: {  	s10 =	sld [smem:$0x3FB4]  }
0x39: {  	_ = 	snop;
	(pc) =	sbr.ind lr, $3  }
0x3a: {  	_ = 	snop  }
0x3b: {  	_ = 	snop  }
0x3c: {  	p2 =	seq.s32 s10, $0x1;
	s10 =	sld [smem:$0x3FB3]  }
0x3d: {  	_ =	shalt  }
0x3e: {  	_ =	shalt  }
0x3f: {  	_ =	shalt  }
0x40: {  	_ =	shalt  }
0x41: {  	_ =	shalt  }
0x42: {  	_ =	shalt  }
0x43: {  	_ =	shalt  }
0x44: {  	_ =	shalt  }
0x45: {  	_ =	shalt  }
0x46: {  	_ =	shalt  }
0x47: {  	_ =	shalt  }
0x48: {  	_ =	shalt  }
0x49: {  	_ =	shalt  }
0x4a: {  	_ =	shalt  }
0x4b: {  	_ =	shalt  }
0x4c: {  	_ =	shalt  }
0x4d: {  	_ =	shalt  }
0x4e: {  	_ =	shalt  }
0x4f: {  	_ =	shalt  }
0x50: {  	_ =	shalt  }
0x51: {  	_ =	shalt  }
0x52: {  	_ =	shalt  }
0x53: {  	_ =	shalt  }
0x54: {  	_ =	shalt  }
0x55: {  	_ =	shalt  }
0x56: {  	_ =	shalt  }
0x57: {  	_ =	shalt  }
0x58: {  	_ =	shalt  }
0x59: {  	_ =	shalt  }
0x5a: {  	_ =	shalt  }
0x5b: {  	_ =	shalt  }
0x5c: {  	_ =	shalt  }
0x5d: {  	_ =	shalt  }
0x5e: {  	_ =	shalt  }
0x5f: {  	_ =	shalt  }
0x60: {  	_ =	shalt  }
0x61: {  	_ =	shalt  }
0x62: {  	_ =	shalt  }
0x63: {  	_ =	shalt  }
0x64: {  	_ =	shalt  }
0x65: {  	_ =	shalt  }
0x66: {  	_ =	shalt  }
0x67: {  	_ =	shalt  }
0x68: {  	_ =	shalt  }
0x69: {  	_ =	shalt  }
0x6a: {  	_ =	shalt  }
0x6b: {  	_ =	shalt  }
0x6c: {  	_ =	shalt  }
0x6d: {  	_ =	shalt  }
0x6e: {  	_ =	shalt  }
0x6f: {  	_ =	shalt  }
0x70: {  	_ =	shalt  }
0x71: {  	_ =	shalt  }
0x72: {  	_ =	shalt  }
0x73: {  	_ =	shalt  }
0x74: {  	_ =	shalt  }
0x75: {  	_ =	shalt  }
0x76: {  	_ =	shalt  }
0x77: {  	_ =	shalt  }
0x78: {  	_ =	shalt  }
0x79: {  	_ =	shalt  }
0x7a: {  	_ =	shalt  }
0x7b: {  	_ =	shalt  }
0x7c: {  	_ =	shalt  }
0x7d: {  	_ =	shalt  }
0x7e: {  	_ =	shalt  }
0x7f: {  	_ =	shalt  }
0x80: {  	_ =	shalt  }
0x81: {  	_ =	shalt  }
0x82: {  	_ =	shalt  }
0x83: {  	_ =	shalt  }
0x84: {  	_ =	shalt  }
0x85: {  	_ =	shalt  }
0x86: {  	_ =	shalt  }
0x87: {  	_ =	shalt  }
.Lfunc_end0:
.L_simem_size_0:
called_computation_lowered:
.L_overlay_start_0:
0x88: {  	s2 =	sld [smem:$0x3FD9]  }
0x89: {  	s3 =	sld [smem:$0x3FFE];
	_ =	sdelay $0x1  }
0x8a: {  	s1 =	srdreg.scid  }
0x8b: {  	s0 =	sand.u32 $0x1, s1  }
0x8c: {  	s16 =	sshll.u32 s0, $0xA;
	s2 =	sadd.s32 s3, s2  }
0x8d: {  	s2 =	sadd.s32 s2, s16  }
0x8e: {  	[smem:$0x3FBF] =	sst s2  }
0x8f: {  	_ = 	snop  }
0x90: {  	(tm) =	ssettm $0x1  }
0x91: {  	s17 =	sld [smem:$0x3FFB];
	_ =	sdelay $0x3  }
0x92: {  	_ =	strace s17  }
0x93: {  	s2 =	sld [smem:$0x3FFC];
	_ =	sdelay $0x3  }
0x94: {  	_ =	strace s2  }
0x95: {  	s2 =	sld [smem:$0x3FFD];
	_ =	sdelay $0x3  }
0x96: {  	_ =	strace s2  }
0x97: {  	_ =	strace $0x8FFFFFFF  }
0x98: {  	s18 =	sld [smem:$0x3FDB];
	_ =	sdelay $0x1  }
0x99: {  	s19 =	simm.s32 $_scs_section_size  }
0x9a: {  	s4 =	simm.s32 $_size__tile_overlayer_lowered;
	s5 =	simm.s32 $_tile_overlayer_lowered  }
0x9b: {  	s22 =	simm.s32 $0x1BFF;
	s21 =	sshll.u32 s5, $0x1;
	s2 =	sadd.s32 s19, s18  }
0x9c: {  	s6 =	simm.s32 $0x0;
	s20 =	sshll.u32 s4, $0x1;
	s4 =	sadd.s32 s21, s2  }
0x9d: {  	[timem:s6], [sflag:s22] =	dma.local [hbm:s4], s20  }
0x9e: {  	_ =	swait.ge [sflag:s22], s20  }
0x9f: {  	s3 =	ssub.s32 $0x0, s20;
	[sflag:s22] =	ssyncset.done $0x0  }
0xa0: {  	[sflag:s22] =	ssyncadd.s32 s3;
	_ =	sdelay $0x1  }
0xa1: {  	s23 =	simm.s32 $0x1B8B  }
0xa2: {  	_ =	swait.ge [sflag:s23], $0x1  }
0xa3: {  	[sflag:s23] =	ssyncset.done $0x0  }
0xa4: {  	s25 =	simm.s32 $0x1B8E;
	s24 =	sld [smem:$0x3FFE];
	[sflag:s23] =	ssyncadd.s32 $0xFFFFFFFF  }
0xa5: {  	s26 =	simm.s32 $execute0_lowered;
	[smem:$0x3FD2] =	sst s25  }
0xa6: {  	s4 =	sshll.u32 s26, $0x1;
	_ =	strace $0x80000046;
	[dreg:$0x1] =	wrdreg $0xFFFFFFFF  }
0xa7: {  	s28 =	simm.s32 $_size_execute0_lowered;
	s2 =	sadd.s32 s2, s4;
	[dreg:$0x0] =	wrdreg $0x0  }
0xa8: {  	s4 =	sshll.u32 s28, $0x1;
	[dreg:$0x2] =	wrdreg s2  }
0xa9: {  	[dreg:$0x3] =	wrdreg s4  }
0xaa: {  	[dreg:$0x4] =	wrdreg $0xC0  }
0xab: {  	_ =	task [dreg:s6], $0x5FFFF  }
0xac: {  	[dreg:$0x1] =	wrdreg $0xFFFFFFFF  }
0xad: {  	[dreg:$0x0] =	wrdreg $0x60  }
0xae: {  	[dreg:$0x2] =	wrdreg s24  }
0xaf: {  	[dreg:$0x3] =	wrdreg $0x94000  }
0xb0: {  	[dreg:$0x4] =	wrdreg $0x1D0000  }
0xb1: {  	[dreg:$0x5] =	wrdreg $0x9  }
0xb2: {  	_ =	task.clear_ibuf [dreg:s6], $0x6FFFF;
	_ =	strace $0x90000046  }
0xb3: {  	s29 =	simm.s32 $0x9;
	_ =	strace $0x80000048  }
0xb4: {  	_ =	swait.ge [sflag:s29], $0x1  }
0xb5: {  	[sflag:s29] =	ssyncadd.s32 $0xFFFFFFFF  }
0xb6: {  	_ =	strace $0x90000048  }
0xb7: {  	_ =	sfence  }
0xb8: {  	s30 =	sld [smem:$0x0];
	_ =	sdelay $0x2  }
0xb9: {  	s31 =	sshll.u32 s1, $0xD;
	s1 =	sshrl.u32 s1, $0x2  }
0xba: {  	s3 =	sand.u32 $0x4000, s31;
	s1 =	sadd.s32 s1, s30  }
0xbb: {  	s0 =	sor.u32 s3, s0;
	s1 =	sshll.u32 s1, $0x11  }
0xbc: {  	s0 =	sor.u32 s1, s0  }
0xbd: {  	s0 =	sadd.s32 $0x8F2B, s0  }
0xbe: {  	[sflag:s0] =	ssyncadd.remote.s32 $0x1  }
0xbf: {  	_ =	sfence.sel $0xFFFF  }
0xc0: {  	[dreg:$0x0] =	wrdreg $0xFFFFFFFF;
	(pc) =	sbr.abs _section_cstart, $3  }
0xc1: {  	[dreg:$0x1] =	wrdreg $0xFFFFFFFF  }
0xc2: {  	_ =	task.clear_ibuf [dreg:s6], $0x2FFFF;
	_ =	strace $0x9FFFFFFF  }
0xc3: {  	(tm) =	ssettm $0x7FFFFFFF  }
tec
execute0_lowered:
.L_overlay_start_1:
0x0: {  	(tag) =	ssettag $0x1  }
0x1: {  	s0 =	rddreg [dreg:$0x0]  }
0x2: {  	s2 =	rddreg [dreg:$0x1];
	s1 =	srdreg.scid  }
0x3: {  	s3 =	rddreg [dreg:$0x2];
	s14 =	stileid.u32  }
0x4: {  	s4 =	simm.s32 $0x0;
	s19 =	simm.s32 $0x6;
	s28 =	simm.s32 $0x7000  }
0x5: {  	s30 =	simm.s32 $0x8000;
	s31 =	simm.s32 $0x1;
	s29 =	simm.s32 $0x0  }
0x6: {  	s1 =	sand.u32 $0x1, s1;
	s7 =	smul.u32 $0x500, s14;
	[smem:$0x7FF] =	sst s4  }
0x7: {  	s5 =	sadd.s32 $0x11200, s0;
	s8 =	smul.u32 $0x13C00, s14;
	s9 =	sadd.s32 $0x67200, s0  }
0x8: {  	s20 =	sadd.s32 $0x64A00, s0;
	_ =	strace $0x80000047;
	[dreg:$0x4] =	wrdreg s9  }
0x9: {  	s11 =	smul.u32 $0x2780, s14;
	s21 =	sadd.s32 $0x64400, s0;
	[dreg:$0x5] =	wrdreg s20  }
0xa: {  	s24 =	sshll.u32 s14, $0x6;
	s6 =	smul.u32 $0x5000, s1;
	[dreg:$0x6] =	wrdreg s21  }
0xb: {  	s10 =	ssub.s32 $0x2, s1;
	p0 =	sne.s32 s1, $0x0;
	s1 =	simm.s32 $0x3  }
0xc: {  	s21 =	simm.s32 $0x2;
	s22 =	sshrl.u32 s8, $0x3;
	s23 =	sshrl.u32 s11, $0x3  }
0xd: {  	s13 =	sshrl.u32 s10, $0x1;
	s9 =	sadd.s32 s8, s2;
	s11 =	sadd.s32 s11, s3  }
0xe: {  	s6 =	sadd.s32 s7, s6;
	s7 =	sadd.s32 s7, s0;
	s12 =	sadd.s32 s22, s0  }
0xf: {  	s13 =	ssub.s32 s10, s13;
	s10 =	sor.u32 $0x1C06, s24;
	s18 =	sshrl.u32 s9, $0x3  }
0x10: {  	s20 =	sshrl.u32 s11, $0x3;
	s22 =	simm.s32 $0x2800;
	s24 =	simm.s32 $0x5000  }
0x11: {  	s6 =	sadd.s32 s6, s0;
	s0 =	sadd.s32 s23, s0;
	s25 =	sadd.s32 $0x5F400, s7  }
0x12: {  	s26 =	sadd.s32 $0x93C00, s12;
	s15 =	sadd.s32 $0x6C400, s12;
	s17 =	smax.u32 s13, $0x1  }
0x13: {  	s23 =	simm.s32 $0x20;
	s6 =	sadd.s32 $0x7200, s6;
	[dreg:$0x8] =	wrdreg s25  }
0x14: {  	[dreg:$0x9] =	wrdreg s26;
	s16 =	sadd.s32 $0x67400, s0;
	s25 =	simm.s32 $0x6000  }
0x15: {  	s26 =	simm.s32 $0x40;
	s0 =	simm.s32 $0x4;
	[dreg:$0x7] =	wrdreg s6  }
.LBB2_1:
0x16: {  	s6 =	rddreg [dreg:$0x5]  }
0x17: {  	[spmem:s18], [sflag:s10] =	dma.local [hbm:s6], $0x2780  }
0x18: {  	_ =	swait.ge [sflag:s19], $0x2780  }
0x19: {  	[sflag:s19] =	ssyncset.done $0x0  }
0x1a: {  	s13 =	rddreg [dreg:$0x6];
	[sflag:s19] =	ssyncadd.s32 $0xFFFFD880  }
0x1b: {  	[spmem:s20], [sflag:s10] =	dma.local [hbm:s13], $0x4F0  }
0x1c: {  	_ =	swait.ge [sflag:s19], $0x4F0  }
0x1d: {  	[sflag:s19] =	ssyncset.done $0x0  }
0x1e: {  	s7 =	simm.s32 $0x9000;
	s14 =	rddreg [dreg:$0x4];
	[sflag:s19] =	ssyncadd.s32 $0xFFFFFB10  }
0x1f: {  	[tilespmem:s7], [sflag:$0x6] =	stream.linear.gather [hbm4b:s14+s4], $0x400, $0x38;
	[tilespmem:$0x1F780] =	vst v63  }
0x20: {  	_ =	swait.ge [sflag:s19], $0x400  }
0x21: {  	[sflag:s19] =	ssyncset.done $0x0  }
0x22: {  	s7 =	rddreg [dreg:$0x7];
	[sflag:s19] =	ssyncadd.s32 $0xFFFFFC00  }
0x23: {  	[tilespmem:s4], [sflag:$0x6] =	stream.linear.gather [hbm4b:s7+s4], $0x2800, $0x38;
	[tilespmem:$0x1F780] =	vst v63  }
0x24: {  	_ =	swait.ge [sflag:s19], $0x2800  }
0x25: {  	[sflag:s19] =	ssyncset.done $0x0  }
0x26: {  	s8 =	rddreg [dreg:$0x8];
	[sflag:s19] =	ssyncadd.s32 $0xFFFFD800  }
0x27: {  	[tilespmem:s22], [sflag:$0x6] =	stream.linear.gather [hbm4b:s8+s4], $0x2800, $0x38;
	[tilespmem:$0x1F780] =	vst v63  }
0x28: {  	_ =	swait.ge [sflag:s19], $0x2800  }
0x29: {  	[sflag:s19] =	ssyncset.done $0x0  }
0x2a: {  	[sflag:s19] =	ssyncadd.s32 $0xFFFFD800  }
0x2b: {  	[bflag:$0x0] =	sbarrier.arrive $0xFFFF  }
0x2c: {  	[tilespmem:s24], [sflag:$0x1] =	stream.indirect.gather [hbm4b:s5+s23], $0x80, s4, s23, $0xb8;
	[tilespmem:$0x1F780] =	vst v63  }
0x2d: {  	_ = 	snop  }
0x2e: {  	[tilespmem:s25], [sflag:$0x1] =	stream.indirect.gather [hbm4b:s5+s23], $0x80, s23, s23, $0xb8;
	[tilespmem:$0x1F780] =	vst v63  }
0x2f: {  	_ = 	snop  }
0x30: {  	[tilespmem:s28], [sflag:$0x2] =	stream.indirect.gather [hbm4b:s5+s23], $0x80, s26, s23, $0xb8;
	[tilespmem:$0x1F780] =	vst v63  }
0x31: {  	s12 =	simm.s32 $0x60  }
0x32: {  	[tilespmem:s30], [sflag:$0x2] =	stream.indirect.gather [hbm4b:s5+s23], $0x80, s12, s23, $0xb8;
	[tilespmem:$0x1F780] =	vst v63  }
0x33: {  	_ =	swait.ge [sflag:s31], $0x2000  }
0x34: {  	[sflag:s31] =	ssyncset.done $0x0  }
0x35: {  	s6 =	simm.s32 @p0 $0x3;
	[sflag:s31] =	ssyncadd.s32 $0xFFFFE000  }
0x36: {  	[spmem:s2] =	stream.indirect.scatter.add.f32 [tilespmem:s24], [sflag:$0x3], $0x80, s22, s26, $0xb8;
	[tilespmem:$0x1F780] =	vst v63  }
0x37: {  	_ =	swait.ge @p0 [sflag:s6], $0x2000  }
0x38: {  	s7 =	simm.s32 @p0 $0x80;
	[sflag:s6] =	ssyncset.done @p0 $0x0  }
0x39: {  	s8 =	simm.s32 @p0 $0x5000;
	[sflag:s6] =	ssyncadd.s32 @p0 $0xFFFFE000;
	s6 =	simm.s32 @p0 $0x20  }
0x3a: {  	[tilespmem:s8], [sflag:$0x1] =	stream.indirect.gather @p0 [hbm4b:s5+s6], $0x80, s7, s6, $0xb8;
	[tilespmem:$0x1F780] =	vst v63  }
0x3b: {  	s7 =	simm.s32 @p0 $0xA0;
	s8 =	simm.s32 @p0 $0x6000  }
0x3c: {  	[tilespmem:s8], [sflag:$0x1] =	stream.indirect.gather @p0 [hbm4b:s5+s6], $0x80, s7, s6, $0xb8;
	[tilespmem:$0x1F780] =	vst v63  }
0x3d: {  	s6 =	simm.s32 @p0 $0x2  }
0x3e: {  	_ =	swait.ge @p0 [sflag:s6], $0x2000  }
0x3f: {  	s7 =	simm.s32 @p0 $0x2840;
	[sflag:s6] =	ssyncset.done @p0 $0x0  }
0x40: {  	s8 =	simm.s32 @p0 $0x7000;
	[sflag:s6] =	ssyncadd.s32 @p0 $0xFFFFE000;
	s6 =	simm.s32 @p0 $0x40  }
0x41: {  	[spmem:s2] =	stream.indirect.scatter.add.f32 @p0 [tilespmem:s8], [sflag:$0x4], $0x80, s7, s6, $0xb8;
	[tilespmem:$0x1F780] =	vst v63  }
0x42: {  	s6 =	simm.s32 @!p0 $0x40;
	s8 =	simm.s32 @!p0 $0x2800;
	s7 =	simm.s32 @!p0 $0x9000  }
0x43: {  	[spmem:s3] =	stream.indirect.scatter.add.f32 @!p0 [tilespmem:s7], [sflag:$0x5], $0x10, s8, s6, $0xb8;
	[tilespmem:$0x1F780] =	vst v63  }
0x44: {  	s8 =	simm.s32 @!p0 $0x3  }
0x45: {  	_ =	swait.ge @!p0 [sflag:s8], $0x2000  }
0x46: {  	s13 =	simm.s32 @!p0 $0x5000;
	[sflag:s8] =	ssyncset.done @!p0 $0x0  }
0x47: {  	s12 =	simm.s32 @!p0 $0x80;
	[sflag:s8] =	ssyncadd.s32 @!p0 $0xFFFFE000;
	s8 =	simm.s32 @!p0 $0x20  }
0x48: {  	[tilespmem:s13], [sflag:$0x1] =	stream.indirect.gather @!p0 [hbm4b:s5+s8], $0x80, s12, s8, $0xb8;
	[tilespmem:$0x1F780] =	vst v63  }
0x49: {  	s12 =	simm.s32 @!p0 $0xA0;
	s13 =	simm.s32 @!p0 $0x6000  }
0x4a: {  	[tilespmem:s13], [sflag:$0x1] =	stream.indirect.gather @!p0 [hbm4b:s5+s8], $0x80, s12, s8, $0xb8;
	[tilespmem:$0x1F780] =	vst v63  }
0x4b: {  	s8 =	simm.s32 @!p0 $0x2  }
0x4c: {  	_ =	swait.ge @!p0 [sflag:s8], $0x2000  }
0x4d: {  	[sflag:s8] =	ssyncset.done @!p0 $0x0  }
0x4e: {  	s12 =	simm.s32 @!p0 $0x2840;
	[sflag:s8] =	ssyncadd.s32 @!p0 $0xFFFFE000;
	s8 =	simm.s32 @!p0 $0x7000  }
0x4f: {  	[spmem:s2] =	stream.indirect.scatter.add.f32 @!p0 [tilespmem:s8], [sflag:$0x4], $0x80, s12, s6, $0xb8;
	[tilespmem:$0x1F780] =	vst v63  }
0x50: {  	s8 =	simm.s32 @!p0 $0x5  }
0x51: {  	_ =	swait.ge @!p0 [sflag:s8], $0x400  }
0x52: {  	[sflag:s8] =	ssyncset.done @!p0 $0x0  }
0x53: {  	[sflag:s8] =	ssyncadd.s32 @!p0 $0xFFFFFC00  }
0x54: {  	[spmem:s3] =	stream.indirect.scatter.add.f32 @!p0 [tilespmem:s7], [sflag:$0x5], $0x10, s12, s6, $0xb8;
	[tilespmem:$0x1F780] =	vst v63  }
0x55: {  	_ =	swait.ge [sflag:s0], $0x2000  }
0x56: {  	[sflag:s0] =	ssyncset.done $0x0  }
0x57: {  	s13 =	simm.s32 $0xC0;
	[sflag:s0] =	ssyncadd.s32 $0xFFFFE000  }
0x58: {  	[tilespmem:s28], [sflag:$0x2] =	stream.indirect.gather [hbm4b:s5+s23], $0x80, s13, s23, $0xb8;
	[tilespmem:$0x1F780] =	vst v63  }
0x59: {  	s14 =	simm.s32 $0xE0  }
0x5a: {  	[tilespmem:s30], [sflag:$0x2] =	stream.indirect.gather [hbm4b:s5+s23], $0x80, s14, s23, $0xb8;
	[tilespmem:$0x1F780] =	vst v63  }
0x5b: {  	_ =	swait.ge [sflag:s31], $0x2000  }
0x5c: {  	[sflag:s31] =	ssyncset.done $0x0  }
0x5d: {  	s12 =	simm.s32 $0x2880;
	[sflag:s31] =	ssyncadd.s32 $0xFFFFE000  }
0x5e: {  	[spmem:s2] =	stream.indirect.scatter.add.f32 [tilespmem:s24], [sflag:$0x3], $0x80, s12, s26, $0xb8;
	[tilespmem:$0x1F780] =	vst v63  }
0x5f: {  	_ =	swait.ge @!p0 [sflag:s8], $0x400  }
0x60: {  	[sflag:s8] =	ssyncset.done @!p0 $0x0  }
0x61: {  	[sflag:s8] =	ssyncadd.s32 @!p0 $0xFFFFFC00  }
0x62: {  	[spmem:s3] =	stream.indirect.scatter.add.f32 @!p0 [tilespmem:s7], [sflag:$0x5], $0x10, s12, s6, $0xb8;
	[tilespmem:$0x1F780] =	vst v63  }
0x63: {  	_ =	swait.ge [sflag:s1], $0x2000  }
0x64: {  	[sflag:s1] =	ssyncset.done $0x0  }
0x65: {  	s13 =	simm.s32 $0x100;
	[sflag:s1] =	ssyncadd.s32 $0xFFFFE000  }
0x66: {  	[tilespmem:s24], [sflag:$0x1] =	stream.indirect.gather [hbm4b:s5+s23], $0x80, s13, s23, $0xb8;
	[tilespmem:$0x1F780] =	vst v63  }
0x67: {  	s14 =	simm.s32 $0x120  }
0x68: {  	[tilespmem:s25], [sflag:$0x1] =	stream.indirect.gather [hbm4b:s5+s23], $0x80, s14, s23, $0xb8;
	[tilespmem:$0x1F780] =	vst v63  }
0x69: {  	_ =	swait.ge [sflag:s21], $0x2000  }
0x6a: {  	[sflag:s21] =	ssyncset.done $0x0  }
0x6b: {  	s13 =	simm.s32 $0x28C0;
	[sflag:s21] =	ssyncadd.s32 $0xFFFFE000  }
0x6c: {  	[spmem:s2] =	stream.indirect.scatter.add.f32 [tilespmem:s28], [sflag:$0x4], $0x80, s13, s26, $0xb8;
	[tilespmem:$0x1F780] =	vst v63  }
0x6d: {  	_ =	swait.ge @!p0 [sflag:s8], $0x400  }
0x6e: {  	[sflag:s8] =	ssyncset.done @!p0 $0x0  }
0x6f: {  	s12 =	simm.s32 $0x200;
	[sflag:s8] =	ssyncadd.s32 @!p0 $0xFFFFFC00  }
.LBB2_2:
0x70: {  	[spmem:s3] =	stream.indirect.scatter.add.f32 @!p0 [tilespmem:s7], [sflag:$0x5], $0x10, s13, s6, $0xb8;
	[tilespmem:$0x1F780] =	vst v63  }
0x71: {  	s13 =	smov.u32 s12;
	s12 =	sadd.s32 $0x200, s12;
	_ =	swait.ge [sflag:s0], $0x2000  }
0x72: {  	s13 =	sshra.s32 s13, $0x2;
	p1 =	sne.s32 s12, $0x9C00;
	[sflag:s0] =	ssyncset.done $0x0  }
0x73: {  	s14 =	sadd.s32 $0xC0, s13;
	[sflag:s0] =	ssyncadd.s32 $0xFFFFE000  }
0x74: {  	[tilespmem:s28], [sflag:$0x2] =	stream.indirect.gather [hbm4b:s5+s23], $0x80, s14, s23, $0xb8;
	[tilespmem:$0x1F780] =	vst v63  }
0x75: {  	s14 =	sadd.s32 $0xE0, s13  }
0x76: {  	[tilespmem:s30], [sflag:$0x2] =	stream.indirect.gather [hbm4b:s5+s23], $0x80, s14, s23, $0xb8;
	[tilespmem:$0x1F780] =	vst v63  }
0x77: {  	_ =	swait.ge [sflag:s31], $0x2000  }
0x78: {  	[sflag:s31] =	ssyncset.done $0x0  }
0x79: {  	s14 =	sadd.s32 $0x2880, s13;
	[sflag:s31] =	ssyncadd.s32 $0xFFFFE000  }
0x7a: {  	[spmem:s2] =	stream.indirect.scatter.add.f32 [tilespmem:s24], [sflag:$0x3], $0x80, s14, s26, $0xb8;
	[tilespmem:$0x1F780] =	vst v63  }
0x7b: {  	_ =	swait.ge @!p0 [sflag:s8], $0x400  }
0x7c: {  	[sflag:s8] =	ssyncset.done @!p0 $0x0  }
0x7d: {  	[sflag:s8] =	ssyncadd.s32 @!p0 $0xFFFFFC00  }
0x7e: {  	[spmem:s3] =	stream.indirect.scatter.add.f32 @!p0 [tilespmem:s7], [sflag:$0x5], $0x10, s14, s6, $0xb8;
	[tilespmem:$0x1F780] =	vst v63  }
0x7f: {  	_ =	swait.ge [sflag:s1], $0x2000  }
0x80: {  	[sflag:s1] =	ssyncset.done $0x0  }
0x81: {  	s14 =	sadd.s32 $0x100, s13;
	[sflag:s1] =	ssyncadd.s32 $0xFFFFE000  }
0x82: {  	[tilespmem:s24], [sflag:$0x1] =	stream.indirect.gather [hbm4b:s5+s23], $0x80, s14, s23, $0xb8;
	[tilespmem:$0x1F780] =	vst v63  }
0x83: {  	s14 =	sadd.s32 $0x120, s13  }
0x84: {  	[tilespmem:s25], [sflag:$0x1] =	stream.indirect.gather [hbm4b:s5+s23], $0x80, s14, s23, $0xb8;
	[tilespmem:$0x1F780] =	vst v63  }
0x85: {  	_ =	swait.ge [sflag:s21], $0x2000  }
0x86: {  	[sflag:s21] =	ssyncset.done $0x0  }
.Ltmp0:
0x87: {  	s13 =	sadd.s32 $0x28C0, s13;
	[sflag:s21] =	ssyncadd.s32 $0xFFFFE000;
	(pc) =	sbr.rel @p1 .LBB2_2-.Ltmp0, $4  }
0x88: {  	[spmem:s2] =	stream.indirect.scatter.add.f32 [tilespmem:s28], [sflag:$0x4], $0x80, s13, s26, $0xb8;
	[tilespmem:$0x1F780] =	vst v63  }
0x89: {  	_ =	swait.ge @!p0 [sflag:s8], $0x400  }
0x8a: {  	[sflag:s8] =	ssyncset.done @!p0 $0x0  }
0x8b: {  	[sflag:s8] =	ssyncadd.s32 @!p0 $0xFFFFFC00  }
0x8c: {  	[spmem:s3] =	stream.indirect.scatter.add.f32 @!p0 [tilespmem:s7], [sflag:$0x5], $0x10, s13, s6, $0xb8;
	[tilespmem:$0x1F780] =	vst v63  }
0x8d: {  	_ =	swait.ge [sflag:s0], $0x2000  }
0x8e: {  	[sflag:s0] =	ssyncset.done $0x0  }
0x8f: {  	s12 =	simm.s32 $0x27C0;
	[sflag:s0] =	ssyncadd.s32 $0xFFFFE000  }
0x90: {  	[tilespmem:s28], [sflag:$0x2] =	stream.indirect.gather [hbm4b:s5+s23], $0x80, s12, s23, $0xb8;
	[tilespmem:$0x1F780] =	vst v63  }
0x91: {  	s13 =	simm.s32 $0x27E0  }
0x92: {  	[tilespmem:s30], [sflag:$0x2] =	stream.indirect.gather [hbm4b:s5+s23], $0x80, s13, s23, $0xb8;
	[tilespmem:$0x1F780] =	vst v63  }
0x93: {  	_ =	swait.ge [sflag:s31], $0x2000  }
0x94: {  	[sflag:s31] =	ssyncset.done $0x0  }
0x95: {  	s14 =	simm.s32 $0x4F80;
	s6 =	simm.s32 @p0 $0x2;
	[sflag:s31] =	ssyncadd.s32 $0xFFFFE000  }
0x96: {  	[spmem:s2] =	stream.indirect.scatter.add.f32 [tilespmem:s24], [sflag:$0x3], $0x80, s14, s26, $0xb8;
	[tilespmem:$0x1F780] =	vst v63  }
0x97: {  	_ =	swait.ge @p0 [sflag:s6], $0x2000  }
0x98: {  	s7 =	simm.s32 @p0 $0x4FC0;
	[sflag:s6] =	ssyncset.done @p0 $0x0  }
0x99: {  	s8 =	simm.s32 @p0 $0x7000;
	[sflag:s6] =	ssyncadd.s32 @p0 $0xFFFFE000;
	s6 =	simm.s32 @p0 $0x40  }
0x9a: {  	[spmem:s2] =	stream.indirect.scatter.add.f32 @p0 [tilespmem:s8], [sflag:$0x4], $0x80, s7, s6, $0xb8;
	[tilespmem:$0x1F780] =	vst v63  }
0x9b: {  	s6 =	simm.s32 @!p0 $0x5  }
0x9c: {  	_ =	swait.ge @!p0 [sflag:s6], $0x400  }
0x9d: {  	s12 =	simm.s32 @!p0 $0x9000;
	[sflag:s6] =	ssyncset.done @!p0 $0x0  }
0x9e: {  	s7 =	simm.s32 @!p0 $0x40;
	s8 =	simm.s32 @!p0 $0x4F80;
	[sflag:s6] =	ssyncadd.s32 @!p0 $0xFFFFFC00  }
0x9f: {  	[spmem:s3] =	stream.indirect.scatter.add.f32 @!p0 [tilespmem:s12], [sflag:$0x5], $0x10, s8, s7, $0xb8;
	[tilespmem:$0x1F780] =	vst v63  }
0xa0: {  	s8 =	simm.s32 @!p0 $0x2  }
0xa1: {  	_ =	swait.ge @!p0 [sflag:s8], $0x2000  }
0xa2: {  	[sflag:s8] =	ssyncset.done @!p0 $0x0  }
0xa3: {  	s13 =	simm.s32 @!p0 $0x7000;
	[sflag:s8] =	ssyncadd.s32 @!p0 $0xFFFFE000;
	s8 =	simm.s32 @!p0 $0x4FC0  }
0xa4: {  	[spmem:s2] =	stream.indirect.scatter.add.f32 @!p0 [tilespmem:s13], [sflag:$0x4], $0x80, s8, s7, $0xb8;
	[tilespmem:$0x1F780] =	vst v63  }
0xa5: {  	_ =	swait.ge @!p0 [sflag:s6], $0x400  }
0xa6: {  	[sflag:s6] =	ssyncset.done @!p0 $0x0  }
0xa7: {  	[sflag:s6] =	ssyncadd.s32 @!p0 $0xFFFFFC00  }
0xa8: {  	[spmem:s3] =	stream.indirect.scatter.add.f32 @!p0 [tilespmem:s12], [sflag:$0x5], $0x10, s8, s7, $0xb8;
	[tilespmem:$0x1F780] =	vst v63  }
0xa9: {  	_ =	swait.ge [sflag:s1], $0x2000  }
0xaa: {  	[sflag:s1] =	ssyncset.done $0x0  }
0xab: {  	[sflag:s1] =	ssyncadd.s32 $0xFFFFE000  }
0xac: {  	_ =	swait.ge [sflag:s0], $0x2000  }
0xad: {  	[sflag:s0] =	ssyncset.done $0x0  }
0xae: {  	[sflag:s0] =	ssyncadd.s32 $0xFFFFE000  }
0xaf: {  	[bflag:$0x0] =	sbarrier.arrive @p0 $0xFFFF  }
0xb0: {  	s7 =	sshrl.u32 @p0 s9, $0x3;
	s8 =	rddreg [dreg:$0x9]  }
0xb1: {  	[hbm:s8], [sflag:s10] =	dma.local @p0 [spmem:s7], $0x2780  }
0xb2: {  	s7 =	simm.s32 @p0 $0x6  }
0xb3: {  	_ =	swait.ge @p0 [sflag:s7], $0x2780  }
0xb4: {  	[sflag:s7] =	ssyncset.done @p0 $0x0  }
0xb5: {  	[sflag:s7] =	ssyncadd.s32 @p0 $0xFFFFD880  }
0xb6: {  	_ =	swait.ge @!p0 [sflag:s6], $0x400  }
0xb7: {  	[sflag:s6] =	ssyncset.done @!p0 $0x0  }
0xb8: {  	[sflag:s6] =	ssyncadd.s32 @!p0 $0xFFFFFC00  }
0xb9: {  	s6 =	sshrl.u32 @!p0 s9, $0x3;
	[bflag:$0x0] =	sbarrier.arrive @!p0 $0xFFFF  }
0xba: {  	[hbm:s15], [sflag:s10] =	dma.local @!p0 [spmem:s6], $0x2780  }
0xbb: {  	s6 =	simm.s32 @!p0 $0x6  }
0xbc: {  	s29 =	sadd.s32 $0x1, s29;
	_ =	swait.ge @!p0 [sflag:s6], $0x2780  }
0xbd: {  	p1 =	sne.s32 s29, s17;
	[sflag:s6] =	ssyncset.done @!p0 $0x0  }
.Ltmp1:
0xbe: {  	s7 =	sshrl.u32 @!p0 s11, $0x3;
	[sflag:s6] =	ssyncadd.s32 @!p0 $0xFFFFD880;
	(pc) =	sbr.rel @p1 .LBB2_1-.Ltmp1, $4  }
0xbf: {  	[hbm:s16], [sflag:s10] =	dma.local @!p0 [spmem:s7], $0x4F0  }
0xc0: {  	_ =	swait.ge @!p0 [sflag:s6], $0x4F0  }
0xc1: {  	[sflag:s6] =	ssyncset.done @!p0 $0x0  }
0xc2: {  	[sflag:s6] =	ssyncadd.s32 @!p0 $0xFFFFFB10  }
0xc3: {  	_ =	sfence.sel $0x180000  }
0xc4: {  	[bflag:$0x0] =	sbarrier.arrive $0xFFFF  }
0xc5: {  	_ =	strace $0x90000047  }
0xc6: {  	s0 =	stileid.u32;
	[bflag:$0x2] =	sbarrier.arrive $0xFFFF  }
0xc7: {  	p0 =	sne.s32 s0, $0x0;
	s0 =	rddreg [dreg:$0x3]  }
0xc8: {  	s0 =	sadd.s32 @!p0 $0x100000, s0  }
0xc9: {  	[sflag:s0] =	ssyncadd.tile.s32 @!p0 $0x1;
	_ =	shalt  }
.Lfunc_end2:
_tile_overlayer_lowered:
.L_overlay_start_2:
0xca: {  	(tag) =	ssettag $0x2  }
0xcb: {  	s0 =	rddreg [dreg:$0x0];
	s2 =	stileid.u32  }
0xcc: {  	s1 =	rddreg [dreg:$0x1];
	p0 =	sne.s32 s2, $0x0  }
0xcd: {  	s3 =	rddreg [dreg:$0x2];
	[bflag:$0x3] =	sbarrier.arrive $0xFFFF;
	s2 =	simm.s32 @!p0 $0x1C06  }
0xce: {  	[timem:s3], [sflag:s2] =	dma.local @!p0 [hbm:s0], s1  }
0xcf: {  	s0 =	simm.s32 @!p0 $0x6  }
0xd0: {  	_ =	swait.ge @!p0 [sflag:s0], s1  }
0xd1: {  	s1 =	ssub.s32 @!p0 $0x0, s1;
	[sflag:s0] =	ssyncset.done @!p0 $0x0  }
0xd2: {  	[sflag:s0] =	ssyncadd.s32 @!p0 s1  }
0xd3: {  	[bflag:$0x3] =	sbarrier.arrive $0xFFFF  }
0xd4: {  	_ =	shalt  }

// kernel: kernel.9.cloned.1.call-start
scs
__scs_entry_jumppad:
0x0: {  	(pc) =	sbr.rel $0x88, $3  }
0x1: {  	(tag) =	ssettag $0x0;
	lr =	simm.s32 $0x1  }
0x2: {  	[smem:$0x3F98] =	sst lr;
	_ =	strace $0xD0000000  }
0x3: {  	_ = 	snop  }
0x4: {  	_ = 	snop  }
0x5: {  	_ = 	snop  }
0x6: {  	_ = 	snop  }
0x7: {  	_ = 	snop  }
__scs_overlays_trampoline_lowered:
0x8: {  	[smem:$0x3FA7] =	sst s0  }
0x9: {  	[smem:$0x3FA8] =	sst s1  }
0xa: {  	[smem:$0x3FA9] =	sst s2  }
0xb: {  	[smem:$0x3FAA] =	sst s3  }
0xc: {  	[smem:$0x3FAB] =	sst s4  }
0xd: {  	[smem:$0x3FAC] =	sst s5  }
0xe: {  	[smem:$0x3FAD] =	sst s6  }
0xf: {  	[smem:$0x3FAE] =	sst s7  }
0x10: {  	[smem:$0x3FAF] =	sst s8  }
0x11: {  	[smem:$0x3FB0] =	sst s9;
	s0 =	simm.s32 @!p0 $0x0  }
0x12: {  	s1 =	sld [smem:$0x3F96];
	s0 =	simm.s32 @p0 $0x1  }
0x13: {  	[smem:$0x3FB1] =	sst s0;
	s0 =	simm.s32 @!p1 $0x0  }
0x14: {  	s2 =	sld [smem:$0x3F95];
	s0 =	simm.s32 @p1 $0x1  }
0x15: {  	[smem:$0x3FB2] =	sst s0;
	s0 =	simm.s32 @!p2 $0x0  }
0x16: {  	s3 =	sld [smem:$0x3FDB];
	s0 =	simm.s32 @p2 $0x1  }
0x17: {  	s4 =	simm.s32 $0x1BF5;
	[smem:$0x3FB4] =	sst s0  }
0x18: {  	s0 =	sld [smem:$0x3F97];
	_ =	swait.ge [sflag:s4], $0x0  }
0x19: {  	s7 =	sld [smem:$0x3F98]  }
0x1a: {  	s8 =	sadd.s32 $0xFFFFE003, lr  }
0x1b: {  	s9 =	sadd.s32 $0xFFFFFEF7, lr;
	s5 =	simm.s32 $0xFFFFFFFF;
	p2 =	slt.u32 s8, $0xFFFFF086  }
0x1c: {  	p1 =	slt.u32 s9, $0xF7A;
	s5 =	simm.s32 @!p2 $0x0  }
0x1d: {  	s5 =	simm.s32 @p1 $0x1;
	p0 =	seq.s32 s7, s2  }
0x1e: {  	s7 =	smul.u32 @!p0 $0xF7A, s2;
	p2 =	seq.s32 @!p0 s5, $0x0  }
0x1f: {  	s9 =	smul.u32 $0xF7A, s1;
	s8 =	simm.s32 @!p0 $0x1BF5;
	p2 =	por !p2, p0  }
0x20: {  	[sflag:s8] =	ssyncset.s32 @!p0 $0xFFFFF086;
	s6 =	sadd.s32 @!p0 s3, s7;
	s7 =	simm.s32 @!p0 $0x108  }
0x21: {  	s3 =	sadd.s32 s3, s9;
	s6 =	sadd.s32 @!p0 $0x88, s6;
	s7 =	simm.s32 @p2 $0x1082  }
0x22: {  	[simem:s7], [sflag:s8] =	dma.local @!p0 [hbm:s6], $0xF7A  }
0x23: {  	s9 =	sor.u32 $0xD0000000, s2;
	s6 =	simm.s32 $0x108;
	_ =	swait.ge @!p0 [sflag:s8], $0x0  }
0x24: {  	s3 =	sadd.s32 $0x88, s3;
	s6 =	simm.s32 @!p1 $0x1082;
	[sflag:s4] =	ssyncset.s32 $0xFFFFF086  }
0x25: {  	[simem:s6], [sflag:s4] =	dma.local [hbm:s3], $0xF7A  }
0x26: {  	[smem:$0x3F98] =	sst s1;
	(tag) =	ssettag s2;
	_ =	strace s9  }
0x27: {  	s1 =	sld [smem:$0x3FA8]  }
0x28: {  	s2 =	sld [smem:$0x3FA9]  }
0x29: {  	s4 =	sld [smem:$0x3FAB]  }
0x2a: {  	p0 =	seq.s32 s5, $0x0;
	s5 =	sld [smem:$0x3FAC]  }
0x2b: {  	s6 =	sld [smem:$0x3FAD]  }
0x2c: {  	s7 =	sld [smem:$0x3FAE]  }
0x2d: {  	s3 =	simm.s32 $0x108;
	s8 =	sld [smem:$0x3FAF]  }
0x2e: {  	s3 =	simm.s32 @!p0 $0x1082;
	s9 =	sld [smem:$0x3FB0]  }
0x2f: {  	lr =	sadd.s32 s0, s3;
	s0 =	sld [smem:$0x3FA7]  }
0x30: {  	s3 =	sld [smem:$0x3FAA]  }
0x31: {  	[smem:$0x3FB3] =	sst s10  }
0x32: {  	s10 =	sld [smem:$0x3FB1];
	_ =	sdelay $0x3  }
0x33: {  	p0 =	seq.s32 s10, $0x1;
	s10 =	sld [smem:$0x3FB3];
	_ =	sdelay $0x3  }
0x34: {  	[smem:$0x3FB3] =	sst s10  }
0x35: {  	s10 =	sld [smem:$0x3FB2];
	_ =	sdelay $0x3  }
0x36: {  	p1 =	seq.s32 s10, $0x1;
	s10 =	sld [smem:$0x3FB3];
	_ =	sdelay $0x3  }
0x37: {  	[smem:$0x3FB3] =	sst s10  }
0x38: {  	s10 =	sld [smem:$0x3FB4]  }
0x39: {  	_ = 	snop;
	(pc) =	sbr.ind lr, $3  }
0x3a: {  	_ = 	snop  }
0x3b: {  	_ = 	snop  }
0x3c: {  	p2 =	seq.s32 s10, $0x1;
	s10 =	sld [smem:$0x3FB3]  }
0x3d: {  	_ =	shalt  }
0x3e: {  	_ =	shalt  }
0x3f: {  	_ =	shalt  }
0x40: {  	_ =	shalt  }
0x41: {  	_ =	shalt  }
0x42: {  	_ =	shalt  }
0x43: {  	_ =	shalt  }
0x44: {  	_ =	shalt  }
0x45: {  	_ =	shalt  }
0x46: {  	_ =	shalt  }
0x47: {  	_ =	shalt  }
0x48: {  	_ =	shalt  }
0x49: {  	_ =	shalt  }
0x4a: {  	_ =	shalt  }
0x4b: {  	_ =	shalt  }
0x4c: {  	_ =	shalt  }
0x4d: {  	_ =	shalt  }
0x4e: {  	_ =	shalt  }
0x4f: {  	_ =	shalt  }
0x50: {  	_ =	shalt  }
0x51: {  	_ =	shalt  }
0x52: {  	_ =	shalt  }
0x53: {  	_ =	shalt  }
0x54: {  	_ =	shalt  }
0x55: {  	_ =	shalt  }
0x56: {  	_ =	shalt  }
0x57: {  	_ =	shalt  }
0x58: {  	_ =	shalt  }
0x59: {  	_ =	shalt  }
0x5a: {  	_ =	shalt  }
0x5b: {  	_ =	shalt  }
0x5c: {  	_ =	shalt  }
0x5d: {  	_ =	shalt  }
0x5e: {  	_ =	shalt  }
0x5f: {  	_ =	shalt  }
0x60: {  	_ =	shalt  }
0x61: {  	_ =	shalt  }
0x62: {  	_ =	shalt  }
0x63: {  	_ =	shalt  }
0x64: {  	_ =	shalt  }
0x65: {  	_ =	shalt  }
0x66: {  	_ =	shalt  }
0x67: {  	_ =	shalt  }
0x68: {  	_ =	shalt  }
0x69: {  	_ =	shalt  }
0x6a: {  	_ =	shalt  }
0x6b: {  	_ =	shalt  }
0x6c: {  	_ =	shalt  }
0x6d: {  	_ =	shalt  }
0x6e: {  	_ =	shalt  }
0x6f: {  	_ =	shalt  }
0x70: {  	_ =	shalt  }
0x71: {  	_ =	shalt  }
0x72: {  	_ =	shalt  }
0x73: {  	_ =	shalt  }
0x74: {  	_ =	shalt  }
0x75: {  	_ =	shalt  }
0x76: {  	_ =	shalt  }
0x77: {  	_ =	shalt  }
0x78: {  	_ =	shalt  }
0x79: {  	_ =	shalt  }
0x7a: {  	_ =	shalt  }
0x7b: {  	_ =	shalt  }
0x7c: {  	_ =	shalt  }
0x7d: {  	_ =	shalt  }
0x7e: {  	_ =	shalt  }
0x7f: {  	_ =	shalt  }
0x80: {  	_ =	shalt  }
0x81: {  	_ =	shalt  }
0x82: {  	_ =	shalt  }
0x83: {  	_ =	shalt  }
0x84: {  	_ =	shalt  }
0x85: {  	_ =	shalt  }
0x86: {  	_ =	shalt  }
0x87: {  	_ =	shalt  }
.Lfunc_end0:
.L_simem_size_0:
called_computation.1_lowered:
.L_overlay_start_0:
0x88: {  	s2 =	sld [smem:$0x3FD9]  }
0x89: {  	s3 =	sld [smem:$0x3FFE];
	_ =	sdelay $0x1  }
0x8a: {  	s1 =	srdreg.scid  }
0x8b: {  	s0 =	sand.u32 $0x1, s1  }
0x8c: {  	s16 =	sshll.u32 s0, $0xA;
	s2 =	sadd.s32 s3, s2  }
0x8d: {  	s2 =	sadd.s32 s2, s16  }
0x8e: {  	[smem:$0x3FBF] =	sst s2  }
0x8f: {  	_ = 	snop  }
0x90: {  	(tm) =	ssettm $0x1  }
0x91: {  	s17 =	sld [smem:$0x3FFB];
	_ =	sdelay $0x3  }
0x92: {  	_ =	strace s17  }
0x93: {  	s2 =	sld [smem:$0x3FFC];
	_ =	sdelay $0x3  }
0x94: {  	_ =	strace s2  }
0x95: {  	s2 =	sld [smem:$0x3FFD];
	_ =	sdelay $0x3  }
0x96: {  	_ =	strace s2  }
0x97: {  	_ =	strace $0x8FFFFFFF  }
0x98: {  	s18 =	sld [smem:$0x3FDB];
	_ =	sdelay $0x1  }
0x99: {  	s19 =	simm.s32 $_scs_section_size  }
0x9a: {  	s4 =	simm.s32 $_size__tile_overlayer_lowered;
	s5 =	simm.s32 $_tile_overlayer_lowered  }
0x9b: {  	s22 =	simm.s32 $0x1BFF;
	s21 =	sshll.u32 s5, $0x1;
	s2 =	sadd.s32 s19, s18  }
0x9c: {  	s6 =	simm.s32 $0x0;
	s20 =	sshll.u32 s4, $0x1;
	s4 =	sadd.s32 s21, s2  }
0x9d: {  	[timem:s6], [sflag:s22] =	dma.local [hbm:s4], s20  }
0x9e: {  	_ =	swait.ge [sflag:s22], s20  }
0x9f: {  	s3 =	ssub.s32 $0x0, s20;
	[sflag:s22] =	ssyncset.done $0x0  }
0xa0: {  	[sflag:s22] =	ssyncadd.s32 s3;
	_ =	sdelay $0x1  }
0xa1: {  	s23 =	simm.s32 $0x1B8B  }
0xa2: {  	_ =	swait.ge [sflag:s23], $0x1  }
0xa3: {  	[sflag:s23] =	ssyncset.done $0x0  }
0xa4: {  	s25 =	simm.s32 $0x1B8E;
	s24 =	sld [smem:$0x3FFE];
	[sflag:s23] =	ssyncadd.s32 $0xFFFFFFFF  }
0xa5: {  	s26 =	simm.s32 $execute0_lowered;
	[smem:$0x3FD2] =	sst s25  }
0xa6: {  	s4 =	sshll.u32 s26, $0x1;
	_ =	strace $0x80000049;
	[dreg:$0x1] =	wrdreg $0xFFFFFFFF  }
0xa7: {  	s28 =	simm.s32 $_size_execute0_lowered;
	s2 =	sadd.s32 s2, s4;
	[dreg:$0x0] =	wrdreg $0x0  }
0xa8: {  	s4 =	sshll.u32 s28, $0x1;
	[dreg:$0x2] =	wrdreg s2  }
0xa9: {  	[dreg:$0x3] =	wrdreg s4  }
0xaa: {  	[dreg:$0x4] =	wrdreg $0xC0  }
0xab: {  	_ =	task [dreg:s6], $0x5FFFF  }
0xac: {  	[dreg:$0x1] =	wrdreg $0xFFFFFFFF  }
0xad: {  	[dreg:$0x0] =	wrdreg $0x60  }
0xae: {  	[dreg:$0x2] =	wrdreg s24  }
0xaf: {  	[dreg:$0x3] =	wrdreg $0x30000  }
0xb0: {  	[dreg:$0x4] =	wrdreg $0x9  }
0xb1: {  	_ =	task.clear_ibuf [dreg:s6], $0x5FFFF;
	_ =	strace $0x90000049  }
0xb2: {  	s29 =	simm.s32 $0x9;
	_ =	strace $0x8000004B  }
0xb3: {  	_ =	swait.ge [sflag:s29], $0x1  }
0xb4: {  	[sflag:s29] =	ssyncadd.s32 $0xFFFFFFFF  }
0xb5: {  	_ =	strace $0x9000004B  }
0xb6: {  	_ =	sfence  }
0xb7: {  	s30 =	sld [smem:$0x0];
	_ =	sdelay $0x2  }
0xb8: {  	s31 =	sshll.u32 s1, $0xD;
	s1 =	sshrl.u32 s1, $0x2  }
0xb9: {  	s3 =	sand.u32 $0x4000, s31;
	s1 =	sadd.s32 s1, s30  }
0xba: {  	s0 =	sor.u32 s3, s0;
	s1 =	sshll.u32 s1, $0x11  }
0xbb: {  	s0 =	sor.u32 s1, s0  }
0xbc: {  	s0 =	sadd.s32 $0x8F2B, s0  }
0xbd: {  	[sflag:s0] =	ssyncadd.remote.s32 $0x1  }
0xbe: {  	_ =	sfence.sel $0xFFFF  }
0xbf: {  	[dreg:$0x0] =	wrdreg $0xFFFFFFFF;
	(pc) =	sbr.abs _section_cstart, $3  }
0xc0: {  	[dreg:$0x1] =	wrdreg $0xFFFFFFFF  }
0xc1: {  	_ =	task.clear_ibuf [dreg:s6], $0x2FFFF;
	_ =	strace $0x9FFFFFFF  }
0xc2: {  	(tm) =	ssettm $0x7FFFFFFF  }
0xc3: {  	_ =	shalt  }
tec
execute0_lowered:
.L_overlay_start_1:
0x0: {  	(tag) =	ssettag $0x1  }
0x1: {  	s0 =	srdreg.scid;
	s9 =	rddreg [dreg:$0x0]  }
0x2: {  	s2 =	rddreg [dreg:$0x1];
	s1 =	stileid.u32;
	s3 =	simm.s32 $0x0  }
0x3: {  	s13 =	simm.s32 $0x11200;
	s14 =	simm.s32 $0x40;
	s15 =	simm.s32 $0x2800  }
0x4: {  	s16 =	simm.s32 $0x2C00;
	s17 =	simm.s32 $0x1;
	s18 =	simm.s32 $0x3  }
0x5: {  	s19 =	simm.s32 $0x80;
	s20 =	simm.s32 $0x2;
	s21 =	simm.s32 $0x1440  }
0x6: {  	s22 =	simm.s32 $0x4;
	s23 =	simm.s32 $0x13C0;
	s24 =	simm.s32 $0x2780  }
0x7: {  	s25 =	simm.s32 $0x27C0;
	s6 =	sand.u32 $0x1, s0;
	s0 =	rddreg [dreg:$0x2]  }
0x8: {  	s26 =	simm.s32 $0x0;
	[smem:$0x7FF] =	sst s3;
	s10 =	smul.u32 $0x2780, s1  }
0x9: {  	s31 =	sshll.u32 s1, $0x6;
	s4 =	sshll.u32 s6, $0x4;
	_ =	strace $0x8000004A  }
0xa: {  	s7 =	ssub.s32 $0x2, s6;
	p0 =	seq.s32 s6, $0x1;
	s6 =	sor.u32 $0x1C05, s31  }
0xb: {  	s4 =	sor.u32 s1, s4;
	s11 =	sshrl.u32 s7, $0x1;
	s12 =	sadd.s32 s10, s2  }
0xc: {  	s13 =	simm.s32 @!p0 $0xC200;
	s10 =	sshrl.u32 s10, $0x3;
	s5 =	smul.u32 $0x280, s4  }
0xd: {  	s4 =	sadd.s32 $0x7200, s9;
	s11 =	ssub.s32 s7, s11;
	s13 =	sadd.s32 s13, s9  }
0xe: {  	s10 =	sadd.s32 s13, s10;
	s13 =	simm.s32 $0x1400;
	s8 =	sadd.s32 s5, s9  }
0xf: {  	s5 =	sadd.s32 $0x64400, s9;
	s9 =	smax.u32 s11, $0x1;
	s11 =	sshrl.u32 s12, $0x3  }
0x10: {  	s12 =	simm.s32 $0x5;
	s7 =	sadd.s32 $0x2200, s8;
	s8 =	sadd.s32 $0x5F400, s8  }
.LBB2_1:
0x11: {  	[spmem:s11], [sflag:s6] =	dma.local [hbm:s5], $0x4F0  }
0x12: {  	_ =	swait.ge [sflag:s12], $0x4F0  }
0x13: {  	[sflag:s12] =	ssyncset.done $0x0  }
0x14: {  	[sflag:s12] =	ssyncadd.s32 $0xFFFFFB10  }
0x15: {  	[tilespmem:s3], [sflag:$0x5] =	stream.linear.gather [hbm4b:s7+s3], $0x1400, $0x38;
	[tilespmem:$0x5780] =	vst v63  }
0x16: {  	_ =	swait.ge [sflag:s12], $0x1400  }
0x17: {  	[sflag:s12] =	ssyncset.done $0x0  }
0x18: {  	[sflag:s12] =	ssyncadd.s32 $0xFFFFEC00  }
0x19: {  	[tilespmem:s13], [sflag:$0x5] =	stream.linear.gather [hbm4b:s8+s3], $0x1400, $0x38;
	[tilespmem:$0x5780] =	vst v63  }
0x1a: {  	_ =	swait.ge [sflag:s12], $0x1400  }
0x1b: {  	[sflag:s12] =	ssyncset.done $0x0  }
0x1c: {  	[sflag:s12] =	ssyncadd.s32 $0xFFFFEC00  }
0x1d: {  	[bflag:$0x0] =	sbarrier.arrive $0xFFFF  }
0x1e: {  	[tilespmem:s15], [sflag:$0x1] =	stream.indirect.gather [hbm4b:s4+s14], $0x10, s3, s14, $0xb8;
	[tilespmem:$0x5780] =	vst v63  }
0x1f: {  	_ = 	snop  }
0x20: {  	[tilespmem:s16], [sflag:$0x2] =	stream.indirect.gather [hbm4b:s4+s14], $0x10, s14, s14, $0xb8;
	[tilespmem:$0x5780] =	vst v63  }
0x21: {  	_ =	swait.ge [sflag:s17], $0x400  }
0x22: {  	[sflag:s17] =	ssyncset.done $0x0  }
0x23: {  	[sflag:s17] =	ssyncadd.s32 $0xFFFFFC00  }
0x24: {  	[spmem:s2] =	stream.indirect.scatter.add.f32 [tilespmem:s15], [sflag:$0x3], $0x10, s13, s14, $0xb8;
	[tilespmem:$0x5780] =	vst v63  }
0x25: {  	_ =	swait.ge [sflag:s18], $0x400  }
0x26: {  	[sflag:s18] =	ssyncset.done $0x0  }
0x27: {  	[sflag:s18] =	ssyncadd.s32 $0xFFFFFC00  }
0x28: {  	[tilespmem:s15], [sflag:$0x1] =	stream.indirect.gather [hbm4b:s4+s14], $0x10, s19, s14, $0xb8;
	[tilespmem:$0x5780] =	vst v63  }
0x29: {  	_ =	swait.ge [sflag:s20], $0x400  }
0x2a: {  	[sflag:s20] =	ssyncset.done $0x0  }
0x2b: {  	[sflag:s20] =	ssyncadd.s32 $0xFFFFFC00  }
0x2c: {  	[spmem:s2] =	stream.indirect.scatter.add.f32 [tilespmem:s16], [sflag:$0x4], $0x10, s21, s14, $0xb8;
	[tilespmem:$0x5780] =	vst v63  }
0x2d: {  	_ =	swait.ge [sflag:s22], $0x400  }
0x2e: {  	[sflag:s22] =	ssyncset.done $0x0  }
0x2f: {  	s28 =	simm.s32 $0xC0;
	[sflag:s22] =	ssyncadd.s32 $0xFFFFFC00  }
0x30: {  	[tilespmem:s16], [sflag:$0x2] =	stream.indirect.gather [hbm4b:s4+s14], $0x10, s28, s14, $0xb8;
	[tilespmem:$0x5780] =	vst v63  }
0x31: {  	_ =	swait.ge [sflag:s17], $0x400  }
0x32: {  	[sflag:s17] =	ssyncset.done $0x0  }
0x33: {  	s28 =	simm.s32 $0x1480;
	[sflag:s17] =	ssyncadd.s32 $0xFFFFFC00  }
0x34: {  	[spmem:s2] =	stream.indirect.scatter.add.f32 [tilespmem:s15], [sflag:$0x3], $0x10, s28, s14, $0xb8;
	[tilespmem:$0x5780] =	vst v63  }
0x35: {  	_ =	swait.ge [sflag:s18], $0x400  }
0x36: {  	[sflag:s18] =	ssyncset.done $0x0  }
0x37: {  	s28 =	simm.s32 $0x100;
	[sflag:s18] =	ssyncadd.s32 $0xFFFFFC00  }
0x38: {  	[tilespmem:s15], [sflag:$0x1] =	stream.indirect.gather [hbm4b:s4+s14], $0x10, s28, s14, $0xb8;
	[tilespmem:$0x5780] =	vst v63  }
0x39: {  	_ =	swait.ge [sflag:s20], $0x400  }
0x3a: {  	[sflag:s20] =	ssyncset.done $0x0  }
0x3b: {  	s29 =	simm.s32 $0x14C0;
	s28 =	simm.s32 $0xFFFFB600;
	[sflag:s20] =	ssyncadd.s32 $0xFFFFFC00  }
.LBB2_2:
0x3c: {  	[spmem:s2] =	stream.indirect.scatter.add.f32 [tilespmem:s16], [sflag:$0x4], $0x10, s29, s14, $0xb8;
	[tilespmem:$0x5780] =	vst v63  }
0x3d: {  	s29 =	smov.u32 s28  }
0x3e: {  	p0 =	sne.s32 s28, $0xFFFFFE00;
	s28 =	sadd.s32 $0x200, s28;
	_ =	swait.ge [sflag:s22], $0x400  }
0x3f: {  	s29 =	sshra.s32 s29, $0x2;
	[sflag:s22] =	ssyncset.done $0x0  }
0x40: {  	s30 =	sadd.s32 $0x13C0, s29;
	[sflag:s22] =	ssyncadd.s32 $0xFFFFFC00  }
0x41: {  	[tilespmem:s16], [sflag:$0x2] =	stream.indirect.gather [hbm4b:s4+s14], $0x10, s30, s14, $0xb8;
	[tilespmem:$0x5780] =	vst v63  }
0x42: {  	_ =	swait.ge [sflag:s17], $0x400  }
0x43: {  	[sflag:s17] =	ssyncset.done $0x0  }
0x44: {  	s30 =	sadd.s32 $0x2780, s29;
	[sflag:s17] =	ssyncadd.s32 $0xFFFFFC00  }
0x45: {  	[spmem:s2] =	stream.indirect.scatter.add.f32 [tilespmem:s15], [sflag:$0x3], $0x10, s30, s14, $0xb8;
	[tilespmem:$0x5780] =	vst v63  }
0x46: {  	_ =	swait.ge [sflag:s18], $0x400  }
0x47: {  	[sflag:s18] =	ssyncset.done $0x0  }
.Ltmp0:
0x48: {  	s30 =	sadd.s32 $0x1400, s29;
	[sflag:s18] =	ssyncadd.s32 $0xFFFFFC00;
	(pc) =	sbr.rel @p0 .LBB2_2-.Ltmp0, $4  }
0x49: {  	[tilespmem:s15], [sflag:$0x1] =	stream.indirect.gather [hbm4b:s4+s14], $0x10, s30, s14, $0xb8;
	[tilespmem:$0x5780] =	vst v63  }
0x4a: {  	_ =	swait.ge [sflag:s20], $0x400  }
0x4b: {  	[sflag:s20] =	ssyncset.done $0x0  }
0x4c: {  	s29 =	sadd.s32 $0x27C0, s29;
	[sflag:s20] =	ssyncadd.s32 $0xFFFFFC00  }
0x4d: {  	[spmem:s2] =	stream.indirect.scatter.add.f32 [tilespmem:s16], [sflag:$0x4], $0x10, s29, s14, $0xb8;
	[tilespmem:$0x5780] =	vst v63  }
0x4e: {  	_ =	swait.ge [sflag:s22], $0x400  }
0x4f: {  	[sflag:s22] =	ssyncset.done $0x0  }
0x50: {  	[sflag:s22] =	ssyncadd.s32 $0xFFFFFC00  }
0x51: {  	[tilespmem:s16], [sflag:$0x2] =	stream.indirect.gather [hbm4b:s4+s14], $0x10, s23, s14, $0xb8;
	[tilespmem:$0x5780] =	vst v63  }
0x52: {  	_ =	swait.ge [sflag:s17], $0x400  }
0x53: {  	[sflag:s17] =	ssyncset.done $0x0  }
0x54: {  	[sflag:s17] =	ssyncadd.s32 $0xFFFFFC00  }
0x55: {  	[spmem:s2] =	stream.indirect.scatter.add.f32 [tilespmem:s15], [sflag:$0x3], $0x10, s24, s14, $0xb8;
	[tilespmem:$0x5780] =	vst v63  }
0x56: {  	_ =	swait.ge [sflag:s20], $0x400  }
0x57: {  	[sflag:s20] =	ssyncset.done $0x0  }
0x58: {  	[sflag:s20] =	ssyncadd.s32 $0xFFFFFC00  }
0x59: {  	[spmem:s2] =	stream.indirect.scatter.add.f32 [tilespmem:s16], [sflag:$0x4], $0x10, s25, s14, $0xb8;
	[tilespmem:$0x5780] =	vst v63  }
0x5a: {  	_ =	swait.ge [sflag:s18], $0x400  }
0x5b: {  	[sflag:s18] =	ssyncset.done $0x0  }
0x5c: {  	[sflag:s18] =	ssyncadd.s32 $0xFFFFFC00  }
0x5d: {  	_ =	swait.ge [sflag:s22], $0x400  }
0x5e: {  	s26 =	sadd.s32 $0x1, s26;
	[sflag:s22] =	ssyncset.done $0x0  }
0x5f: {  	p0 =	sne.s32 s26, s9;
	[sflag:s22] =	ssyncadd.s32 $0xFFFFFC00  }
.Ltmp1:
0x60: {  	[bflag:$0x0] =	sbarrier.arrive $0xFFFF;
	(pc) =	sbr.rel @p0 .LBB2_1-.Ltmp1, $4  }
0x61: {  	[hbm:s10], [sflag:s6] =	dma.local [spmem:s11], $0x4F0  }
0x62: {  	_ =	swait.ge [sflag:s12], $0x4F0  }
0x63: {  	[sflag:s12] =	ssyncset.done $0x0  }
0x64: {  	[sflag:s12] =	ssyncadd.s32 $0xFFFFFB10  }
0x65: {  	_ =	sfence.sel $0x180000  }
0x66: {  	[bflag:$0x0] =	sbarrier.arrive $0xFFFF  }
0x67: {  	p0 =	sne.s32 s1, $0x0;
	_ =	strace $0x9000004A  }
0x68: {  	s0 =	sadd.s32 @!p0 $0x100000, s0;
	[bflag:$0x2] =	sbarrier.arrive $0xFFFF  }
0x69: {  	[sflag:s0] =	ssyncadd.tile.s32 @!p0 $0x1;
	_ =	shalt  }
.Lfunc_end2:
_tile_overlayer_lowered:
.L_overlay_start_2:
0x6a: {  	(tag) =	ssettag $0x2  }
0x6b: {  	s0 =	rddreg [dreg:$0x0];
	s2 =	stileid.u32  }
0x6c: {  	s1 =	rddreg [dreg:$0x1];
	p0 =	sne.s32 s2, $0x0  }
0x6d: {  	s3 =	rddreg [dreg:$0x2];
	[bflag:$0x3] =	sbarrier.arrive $0xFFFF;
	s2 =	simm.s32 @!p0 $0x1C05  }
0x6e: {  	[timem:s3], [sflag:s2] =	dma.local @!p0 [hbm:s0], s1  }
0x6f: {  	s0 =	simm.s32 @!p0 $0x5  }
0x70: {  	_ =	swait.ge @!p0 [sflag:s0], s1  }
0x71: {  	s1 =	ssub.s32 @!p0 $0x0, s1;
	[sflag:s0] =	ssyncset.done @!p0 $0x0  }
0x72: {  	[sflag:s0] =	ssyncadd.s32 @!p0 s1  }
0x73: {  	[bflag:$0x3] =	sbarrier.arrive $0xFFFF  }
0x74: {  	_ =	shalt  }

</sc_bundles>
